<compile_context>
chip_gen: v7x
topology: tpu7x:2x2x1
jax: 0.10.2.dev20260603
libtpu: 0.0.44.dev20260713+nightly
codegen_flags: <defaults>
</compile_context>

<pallas_src>
import functools

import jax
import jax.numpy as jnp
from jax import lax
from jax.experimental import pallas as pl
from jax.experimental.pallas import tpu as pltpu
from jax.experimental.pallas import tpu_sc as plsc

B = 16384
D = 64
XN = 13
CN = 4
XF, XS = 26, 100
CF, CS = 8, 50
NXT = XN + XF
NCT = CN + CF
NROWS = XF * XS + CF * CS

BSZ = 256
GRID = B // BSZ


def _tc_body(x_ref, c_ref, wx_ref, bx_ref, wc_ref, bc_ref,
             tx_ref, tc_ref, gx_ref, gc_ref):
    x = x_ref[...]
    c = c_ref[...]
    for f in range(XN):
        tx_ref[:, f, :] = (
            x[:, f:f + 1] * wx_ref[:, f * D:(f + 1) * D]
            + bx_ref[:, f * D:(f + 1) * D])
    for f in range(CN):
        tc_ref[:, f * D:(f + 1) * D] = (
            c[:, f:f + 1] * wc_ref[:, f * D:(f + 1) * D]
            + bc_ref[:, f * D:(f + 1) * D])
    iota_x = lax.broadcasted_iota(jnp.int32, (BSZ, XS), 1)
    cols = []
    for f in range(XF):
        ch = x[:, XN + XS * f: XN + XS * (f + 1)]
        m = jnp.max(ch, axis=1, keepdims=True)
        cand = jnp.where(ch == m, iota_x + XS * f, NROWS)
        cols.append(jnp.min(cand, axis=1, keepdims=True))
    gx_ref[...] = jnp.concatenate(cols, axis=1)
    iota_c = lax.broadcasted_iota(jnp.int32, (BSZ, CS), 1)
    cols = []
    for f in range(CF):
        ch = c[:, CN + CS * f: CN + CS * (f + 1)]
        m = jnp.max(ch, axis=1, keepdims=True)
        cand = jnp.where(ch == m, iota_c + (XF * XS + CS * f), NROWS)
        cols.append(jnp.min(cand, axis=1, keepdims=True))
    gc_ref[...] = jnp.concatenate(cols, axis=1)


_tc_encode = pl.pallas_call(
    _tc_body,
    grid=(GRID,),
    in_specs=[
        pl.BlockSpec((BSZ, XN + XF * XS), lambda i: (i, 0)),
        pl.BlockSpec((BSZ, CN + CF * CS), lambda i: (i, 0)),
        pl.BlockSpec((1, XN * D), lambda i: (0, 0)),
        pl.BlockSpec((1, XN * D), lambda i: (0, 0)),
        pl.BlockSpec((1, CN * D), lambda i: (0, 0)),
        pl.BlockSpec((1, CN * D), lambda i: (0, 0)),
    ],
    out_specs=[
        pl.BlockSpec((BSZ, 16, D), lambda i: (i, 0, 0)),
        pl.BlockSpec((BSZ, CN * D), lambda i: (i, 0)),
        pl.BlockSpec((BSZ, XF), lambda i: (i, 0)),
        pl.BlockSpec((BSZ, CF), lambda i: (i, 0)),
    ],
    out_shape=[
        jax.ShapeDtypeStruct((B, NXT, D), jnp.float32),
        jax.ShapeDtypeStruct((B, NCT * D), jnp.float32),
        jax.ShapeDtypeStruct((B, XF), jnp.int32),
        jax.ShapeDtypeStruct((B, CF), jnp.int32),
    ],
)


NWC, NWS = 2, 16
NW = NWC * NWS
BPW = B // NW
CB = 16
NCH = BPW // CB


def _sc_body(gx_hbm, gc_hbm, emb_hbm, ox_hbm, oc_hbm,
             idxx, idxc, bufx, bufc, semx, semc, semo):
    wid = lax.axis_index("s") * NWC + lax.axis_index("c")
    base = wid * BPW

    @pl.loop(0, NCH)
    def _chunk(ch):
        b0 = base + ch * CB
        pltpu.sync_copy(gx_hbm.at[pl.ds(b0 * XF, CB * XF)], idxx)
        pltpu.sync_copy(gc_hbm.at[pl.ds(b0 * CF, CB * CF)], idxc)
        cpx = pltpu.async_copy(emb_hbm.at[idxx], bufx, semx)
        cpc = pltpu.async_copy(emb_hbm.at[idxc], bufc, semc)
        cpx.wait()
        cpc.wait()
        for j in range(CB):
            pltpu.async_copy(
                bufx.at[pl.ds(j * XF, XF), :],
                ox_hbm.at[pl.ds((b0 + j) * NXT + XN, XF), :], semo)
            pltpu.async_copy(
                bufc.at[pl.ds(j * CF, CF), :],
                oc_hbm.at[pl.ds((b0 + j) * NCT + CN, CF), :], semo)
        pltpu.make_async_copy(
            ox_hbm.at[pl.ds(0, CB * (XF + CF)), :],
            ox_hbm.at[pl.ds(0, CB * (XF + CF)), :], semo).wait()


@functools.lru_cache(maxsize=None)
def _make_sc_fill():
    return pl.kernel(
        _sc_body,
        out_type=(),
        mesh=plsc.VectorSubcoreMesh(core_axis_name="c", subcore_axis_name="s"),
        compiler_params=pltpu.CompilerParams(use_tc_tiling_on_sc=False),
        scratch_types=[
            pltpu.VMEM((CB * XF,), jnp.int32),
            pltpu.VMEM((CB * CF,), jnp.int32),
            pltpu.VMEM((CB * XF, D), jnp.float32),
            pltpu.VMEM((CB * CF, D), jnp.float32),
            pltpu.SemaphoreType.DMA,
            pltpu.SemaphoreType.DMA,
            pltpu.SemaphoreType.DMA,
        ],
    )


def kernel(x_curr, cond, num_x_weight, num_x_bias, num_cond_weight,
           num_cond_bias, x_cat_emb, cond_cat_emb):
    emb_all = jnp.concatenate(
        [x_cat_emb.reshape(XF * XS, D), cond_cat_emb.reshape(CF * CS, D)],
        axis=0)
    tokx0, tokc0, gx, gc = _tc_encode(
        x_curr, cond,
        num_x_weight.reshape(1, XN * D), num_x_bias.reshape(1, XN * D),
        num_cond_weight.reshape(1, CN * D), num_cond_bias.reshape(1, CN * D))
    rx = jax.new_ref(tokx0.reshape(B * NXT, D))
    rc = jax.new_ref(tokc0.reshape(B * NCT, D))
    _make_sc_fill()(gx.reshape(B * XF), gc.reshape(B * CF), emb_all, rx, rc)
    return rx[...].reshape(B, NXT, D), rc[...].reshape(B, NCT, D)

# --- scband reference (transcript-rebuilt; emitter-appended) ---
"""Pipeline reference for scband-feature-tokenizer-74672301408374 (READ-ONLY COPY).

The authoritative reference and input builder live on the scoring server;
editing this copy changes nothing except your own understanding.
"""

import jax, jax.numpy as jnp
import numpy as np

B = 16384
D = 64
X_NUM = 13
COND_NUM = 4
X_CAT_SIZES = [100] * 26
COND_CAT_SIZES = [50] * 8


def setup_inputs(seed: int = 0) -> dict:
    key = jax.random.key(seed)
    ks = jax.random.split(key, 8)
    x_curr = jax.random.uniform(ks[0], (B, X_NUM + sum(X_CAT_SIZES)), dtype=jnp.float32)
    cond = jax.random.uniform(ks[1], (B, COND_NUM + sum(COND_CAT_SIZES)), dtype=jnp.float32)
    num_x_weight = jax.random.normal(ks[2], (X_NUM, D), dtype=jnp.float32) * 0.02
    num_x_bias = jnp.zeros((X_NUM, D), dtype=jnp.float32)
    num_cond_weight = jax.random.normal(ks[3], (COND_NUM, D), dtype=jnp.float32) * 0.02
    num_cond_bias = jnp.zeros((COND_NUM, D), dtype=jnp.float32)
    x_cat_emb = jax.random.normal(ks[4], (len(X_CAT_SIZES), X_CAT_SIZES[0], D), dtype=jnp.float32) * 0.02
    cond_cat_emb = jax.random.normal(ks[5], (len(COND_CAT_SIZES), COND_CAT_SIZES[0], D), dtype=jnp.float32) * 0.02
    return {
        "x_curr": x_curr,
        "cond": cond,
        "num_x_weight": num_x_weight,
        "num_x_bias": num_x_bias,
        "num_cond_weight": num_cond_weight,
        "num_cond_bias": num_cond_bias,
        "x_cat_emb": x_cat_emb,
        "cond_cat_emb": cond_cat_emb,
    }


def _recover_indices(flat_one_hot, sizes):
    # faithful to torch version: per-field argmax over its one-hot chunk
    idx_list = []
    curr = 0
    for k in sizes:
        chunk = flat_one_hot[:, curr:curr + k]
        idx_list.append(jnp.argmax(chunk, axis=1))
        curr += k
    return jnp.stack(idx_list, axis=1)  # [B, n_fields] int


def reference(x_curr, cond, num_x_weight, num_x_bias, num_cond_weight, num_cond_bias, x_cat_emb, cond_cat_emb):
    # --- x tokens ---
    # LinearEncoder: per-column affine map to d_model
    x_num_tok = x_curr[:, :X_NUM][:, :, None] * num_x_weight[None, :, :] + num_x_bias[None, :, :]  # [B, 13, D]
    x_idx = _recover_indices(x_curr[:, X_NUM:], X_CAT_SIZES)  # [B, 26]
    # EmbeddingEncoder: per-field table lookup
    x_cat_tok = jnp.stack([jnp.take(x_cat_emb[f], x_idx[:, f], axis=0) for f in range(len(X_CAT_SIZES))], axis=1)  # [B, 26, D]
    x_tokens = jnp.concatenate([x_num_tok, x_cat_tok], axis=1)  # [B, 39, D]
    # --- cond tokens ---
    c_num_tok = cond[:, :COND_NUM][:, :, None] * num_cond_weight[None, :, :] + num_cond_bias[None, :, :]  # [B, 4, D]
    c_idx = _recover_indices(cond[:, COND_NUM:], COND_CAT_SIZES)  # [B, 8]
    c_cat_tok = jnp.stack([jnp.take(cond_cat_emb[f], c_idx[:, f], axis=0) for f in range(len(COND_CAT_SIZES))], axis=1)  # [B, 8, D]
    cond_tokens = jnp.concatenate([c_num_tok, c_cat_tok], axis=1)  # [B, 12, D]
    return (x_tokens, cond_tokens)

if __name__ == "__main__":
    import jax
    _d = setup_inputs()
    print(jax.jit(kernel)(*tuple(_d.values())))

</pallas_src>

<mosaic_0001>
#map = affine_map<(d0, d1) -> (0)>
#map1 = affine_map<(d0, d1) -> (0, 0)>
module attributes {stable_mosaic.version = 14 : i64} {
  func.func @new_body(%arg0: i32, %arg1: i32, %arg2: memref<425984xi32, #tpu.memory_space<hbm>>, %arg3: memref<131072xi32, #tpu.memory_space<hbm>>, %arg4: memref<3000x64xf32, #tpu.memory_space<hbm>>, %arg5: memref<638976x64xf32, #tpu.memory_space<hbm>>, %arg6: memref<196608x64xf32, #tpu.memory_space<hbm>>, %arg7: memref<638976x64xf32, #tpu.memory_space<hbm>>, %arg8: memref<196608x64xf32, #tpu.memory_space<hbm>>, %arg9: memref<416xi32, #tpu.memory_space<vmem>>, %arg10: memref<128xi32, #tpu.memory_space<vmem>>, %arg11: memref<416x64xf32, #tpu.memory_space<vmem>>, %arg12: memref<128x64xf32, #tpu.memory_space<vmem>>, %arg13: memref<!tpu.dma_semaphore, #tpu.memory_space<semaphore_mem>>, %arg14: memref<!tpu.dma_semaphore, #tpu.memory_space<semaphore_mem>>, %arg15: memref<!tpu.dma_semaphore, #tpu.memory_space<semaphore_mem>>) attributes {dimension_semantics = [#tpu.dimension_semantics<core_parallel>, #tpu.dimension_semantics<subcore_parallel>], iteration_bounds = array<i64: 2, 16>, scalar_prefetch = 0 : i64, scratch_operands = 7 : i64, tpu.core_type = #tpu.core_type<sc_vector_subcore>, window_params = [{transform_indices = #map}, {transform_indices = #map}, {transform_indices = #map1}, {transform_indices = #map1}, {transform_indices = #map1}, {transform_indices = #map1}, {transform_indices = #map1}]} {
    %mul3A = arith.constant 2 : i32
    %mul3A_0 = arith.muli %arg1, %mul3A : i32
    %add3A = arith.addi %mul3A_0, %arg0 : i32
    %mul3A_1 = arith.constant 512 : i32
    %mul3A_2 = arith.muli %add3A, %mul3A_1 : i32
    %scan3A = arith.constant 0 : i32
    %scan3A_3 = arith.constant 32 : i32
    %scan3A_4 = arith.addi %scan3A, %scan3A_3 : i32
    %scan3A_5 = arith.constant 1 : i32
    scf.for %scan3A_7 = %scan3A to %scan3A_4 step %scan3A_5  : i32 {
      %mul3A_8 = arith.constant 1 : i32
      %mul3A_9 = arith.muli %scan3A_7, %mul3A_8 : i32
      %add3A_10 = arith.constant 0 : i32
      %add3A_11 = arith.addi %add3A_10, %mul3A_9 : i32
      %mul3A_12 = arith.constant 16 : i32
      %mul3A_13 = arith.muli %add3A_11, %mul3A_12 : i32
      %add3A_14 = arith.addi %mul3A_2, %mul3A_13 : i32
      %mul3A_15 = arith.constant 26 : i32
      %mul3A_16 = arith.muli %add3A_14, %mul3A_15 : i32
      "tpu.region"() ({
        %run_scoped3A = tpu.sem_alloc : memref<!tpu.dma_semaphore, #tpu.memory_space<semaphore_mem>>
        %dma_start3A_547 = tpu.memref_slice %arg2[%mul3A_16] : memref<425984xi32, #tpu.memory_space<hbm>> -> memref<416xi32, #tpu.memory_space<hbm>>
        %dma_start3A_548 = tpu.memref_slice %arg2[%mul3A_16] : memref<425984xi32, #tpu.memory_space<hbm>> -> memref<416xi32, #tpu.memory_space<hbm>>
        tpu.enqueue_dma source(%dma_start3A_548 : memref<416xi32, #tpu.memory_space<hbm>>) target(%arg9 : memref<416xi32, #tpu.memory_space<vmem>>) target_semaphore(%run_scoped3A : memref<!tpu.dma_semaphore, #tpu.memory_space<semaphore_mem>>)
        %dma_wait3A_549 = tpu.memref_slice %arg2[%mul3A_16] : memref<425984xi32, #tpu.memory_space<hbm>> -> memref<416xi32, #tpu.memory_space<hbm>>
        %dma_wait3A_550 = tpu.memref_slice %arg2[%mul3A_16] : memref<425984xi32, #tpu.memory_space<hbm>> -> memref<416xi32, #tpu.memory_space<hbm>>
        tpu.wait_dma2 semaphore(%run_scoped3A : memref<!tpu.dma_semaphore, #tpu.memory_space<semaphore_mem>>) src(%dma_wait3A_550 : memref<416xi32, #tpu.memory_space<hbm>>) dst(%arg9 : memref<416xi32, #tpu.memory_space<vmem>>)
        tpu.yield
      }) : () -> ()
      %mul3A_17 = arith.constant 8 : i32
      %mul3A_18 = arith.muli %add3A_14, %mul3A_17 : i32
      "tpu.region"() ({
        %run_scoped3A = tpu.sem_alloc : memref<!tpu.dma_semaphore, #tpu.memory_space<semaphore_mem>>
        %dma_start3A_547 = tpu.memref_slice %arg3[%mul3A_18] : memref<131072xi32, #tpu.memory_space<hbm>> -> memref<128xi32, #tpu.memory_space<hbm>>
        %dma_start3A_548 = tpu.memref_slice %arg3[%mul3A_18] : memref<131072xi32, #tpu.memory_space<hbm>> -> memref<128xi32, #tpu.memory_space<hbm>>
        tpu.enqueue_dma source(%dma_start3A_548 : memref<128xi32, #tpu.memory_space<hbm>>) target(%arg10 : memref<128xi32, #tpu.memory_space<vmem>>) target_semaphore(%run_scoped3A : memref<!tpu.dma_semaphore, #tpu.memory_space<semaphore_mem>>)
        %dma_wait3A_549 = tpu.memref_slice %arg3[%mul3A_18] : memref<131072xi32, #tpu.memory_space<hbm>> -> memref<128xi32, #tpu.memory_space<hbm>>
        %dma_wait3A_550 = tpu.memref_slice %arg3[%mul3A_18] : memref<131072xi32, #tpu.memory_space<hbm>> -> memref<128xi32, #tpu.memory_space<hbm>>
        tpu.wait_dma2 semaphore(%run_scoped3A : memref<!tpu.dma_semaphore, #tpu.memory_space<semaphore_mem>>) src(%dma_wait3A_550 : memref<128xi32, #tpu.memory_space<hbm>>) dst(%arg10 : memref<128xi32, #tpu.memory_space<vmem>>)
        tpu.yield
      }) : () -> ()
      %dma_start3A = arith.constant 0 : i32
      %dma_start3A_19 = arith.constant 0 : i32
      %dma_start3A_20 = tpu.memref_slice %arg4[%dma_start3A, %dma_start3A_19] : memref<3000x64xf32, #tpu.memory_space<hbm>> -> memref<3000x64xf32, #tpu.memory_space<hbm>>
      tpu.enqueue_indirect_dma source(%dma_start3A_20 : memref<3000x64xf32, #tpu.memory_space<hbm>>) target(%arg11 : memref<416x64xf32, #tpu.memory_space<vmem>>) offsets(%arg9 : memref<416xi32, #tpu.memory_space<vmem>>) semaphore(%arg13 : memref<!tpu.dma_semaphore, #tpu.memory_space<semaphore_mem>>)
      %dma_start3A_21 = arith.constant 0 : i32
      %dma_start3A_22 = arith.constant 0 : i32
      %dma_start3A_23 = tpu.memref_slice %arg4[%dma_start3A_21, %dma_start3A_22] : memref<3000x64xf32, #tpu.memory_space<hbm>> -> memref<3000x64xf32, #tpu.memory_space<hbm>>
      tpu.enqueue_indirect_dma source(%dma_start3A_23 : memref<3000x64xf32, #tpu.memory_space<hbm>>) target(%arg12 : memref<128x64xf32, #tpu.memory_space<vmem>>) offsets(%arg10 : memref<128xi32, #tpu.memory_space<vmem>>) semaphore(%arg14 : memref<!tpu.dma_semaphore, #tpu.memory_space<semaphore_mem>>)
      %dma_wait3A = arith.constant 0 : i32
      %dma_wait3A_24 = arith.constant 0 : i32
      %dma_wait3A_25 = tpu.memref_slice %arg4[%dma_wait3A, %dma_wait3A_24] : memref<3000x64xf32, #tpu.memory_space<hbm>> -> memref<3000x64xf32, #tpu.memory_space<hbm>>
      tpu.wait_indirect_dma semaphore(%arg13 : memref<!tpu.dma_semaphore, #tpu.memory_space<semaphore_mem>>) src(%dma_wait3A_25 : memref<3000x64xf32, #tpu.memory_space<hbm>>) dst(%arg11 : memref<416x64xf32, #tpu.memory_space<vmem>>)
      %dma_wait3A_26 = arith.constant 0 : i32
      %dma_wait3A_27 = arith.constant 0 : i32
      %dma_wait3A_28 = tpu.memref_slice %arg4[%dma_wait3A_26, %dma_wait3A_27] : memref<3000x64xf32, #tpu.memory_space<hbm>> -> memref<3000x64xf32, #tpu.memory_space<hbm>>
      tpu.wait_indirect_dma semaphore(%arg14 : memref<!tpu.dma_semaphore, #tpu.memory_space<semaphore_mem>>) src(%dma_wait3A_28 : memref<3000x64xf32, #tpu.memory_space<hbm>>) dst(%arg12 : memref<128x64xf32, #tpu.memory_space<vmem>>)
      %add3A_29 = arith.constant 0 : i32
      %add3A_30 = arith.addi %add3A_14, %add3A_29 : i32
      %mul3A_31 = arith.constant 39 : i32
      %mul3A_32 = arith.muli %add3A_30, %mul3A_31 : i32
      %add3A_33 = arith.constant 13 : i32
      %add3A_34 = arith.addi %mul3A_32, %add3A_33 : i32
      %dma_start3A_35 = arith.constant 0 : i32
      %dma_start3A_36 = arith.constant 0 : i32
      %dma_start3A_37 = tpu.memref_slice %arg11[%dma_start3A_35, %dma_start3A_36] : memref<416x64xf32, #tpu.memory_space<vmem>> -> memref<26x64xf32, #tpu.memory_space<vmem>>
      %dma_start3A_38 = arith.constant 0 : i32
      %dma_start3A_39 = tpu.memref_slice %arg5[%add3A_34, %dma_start3A_38] : memref<638976x64xf32, #tpu.memory_space<hbm>> -> memref<26x64xf32, #tpu.memory_space<hbm>>
      %dma_start3A_40 = arith.constant 0 : i32
      %dma_start3A_41 = tpu.memref_slice %arg5[%add3A_34, %dma_start3A_40] : memref<638976x64xf32, #tpu.memory_space<hbm>> -> memref<26x64xf32, #tpu.memory_space<hbm>>
      %dma_start3A_42 = arith.constant 0 : i32
      %dma_start3A_43 = arith.constant 0 : i32
      %dma_start3A_44 = tpu.memref_slice %arg11[%dma_start3A_42, %dma_start3A_43] : memref<416x64xf32, #tpu.memory_space<vmem>> -> memref<26x64xf32, #tpu.memory_space<vmem>>
      tpu.enqueue_dma source(%dma_start3A_44 : memref<26x64xf32, #tpu.memory_space<vmem>>) target(%dma_start3A_41 : memref<26x64xf32, #tpu.memory_space<hbm>>) target_semaphore(%arg15 : memref<!tpu.dma_semaphore, #tpu.memory_space<semaphore_mem>>)
      %add3A_45 = arith.constant 0 : i32
      %add3A_46 = arith.addi %add3A_14, %add3A_45 : i32
      %mul3A_47 = arith.constant 12 : i32
      %mul3A_48 = arith.muli %add3A_46, %mul3A_47 : i32
      %add3A_49 = arith.constant 4 : i32
      %add3A_50 = arith.addi %mul3A_48, %add3A_49 : i32
      %dma_start3A_51 = arith.constant 0 : i32
      %dma_start3A_52 = arith.constant 0 : i32
      %dma_start3A_53 = tpu.memref_slice %arg12[%dma_start3A_51, %dma_start3A_52] : memref<128x64xf32, #tpu.memory_space<vmem>> -> memref<8x64xf32, #tpu.memory_space<vmem>>
      %dma_start3A_54 = arith.constant 0 : i32
      %dma_start3A_55 = tpu.memref_slice %arg6[%add3A_50, %dma_start3A_54] : memref<196608x64xf32, #tpu.memory_space<hbm>> -> memref<8x64xf32, #tpu.memory_space<hbm>>
      %dma_start3A_56 = arith.constant 0 : i32
      %dma_start3A_57 = tpu.memref_slice %arg6[%add3A_50, %dma_start3A_56] : memref<196608x64xf32, #tpu.memory_space<hbm>> -> memref<8x64xf32, #tpu.memory_space<hbm>>
      %dma_start3A_58 = arith.constant 0 : i32
      %dma_start3A_59 = arith.constant 0 : i32
      %dma_start3A_60 = tpu.memref_slice %arg12[%dma_start3A_58, %dma_start3A_59] : memref<128x64xf32, #tpu.memory_space<vmem>> -> memref<8x64xf32, #tpu.memory_space<vmem>>
      tpu.enqueue_dma source(%dma_start3A_60 : memref<8x64xf32, #tpu.memory_space<vmem>>) target(%dma_start3A_57 : memref<8x64xf32, #tpu.memory_space<hbm>>) target_semaphore(%arg15 : memref<!tpu.dma_semaphore, #tpu.memory_space<semaphore_mem>>)
      %add3A_61 = arith.constant 1 : i32
      %add3A_62 = arith.addi %add3A_14, %add3A_61 : i32
      %mul3A_63 = arith.constant 39 : i32
      %mul3A_64 = arith.muli %add3A_62, %mul3A_63 : i32
      %add3A_65 = arith.constant 13 : i32
      %add3A_66 = arith.addi %mul3A_64, %add3A_65 : i32
      %dma_start3A_67 = arith.constant 26 : i32
      %dma_start3A_68 = arith.constant 0 : i32
      %dma_start3A_69 = tpu.memref_slice %arg11[%dma_start3A_67, %dma_start3A_68] : memref<416x64xf32, #tpu.memory_space<vmem>> -> memref<26x64xf32, #tpu.memory_space<vmem>>
      %dma_start3A_70 = arith.constant 0 : i32
      %dma_start3A_71 = tpu.memref_slice %arg5[%add3A_66, %dma_start3A_70] : memref<638976x64xf32, #tpu.memory_space<hbm>> -> memref<26x64xf32, #tpu.memory_space<hbm>>
      %dma_start3A_72 = arith.constant 0 : i32
      %dma_start3A_73 = tpu.memref_slice %arg5[%add3A_66, %dma_start3A_72] : memref<638976x64xf32, #tpu.memory_space<hbm>> -> memref<26x64xf32, #tpu.memory_space<hbm>>
      %dma_start3A_74 = arith.constant 26 : i32
      %dma_start3A_75 = arith.constant 0 : i32
      %dma_start3A_76 = tpu.memref_slice %arg11[%dma_start3A_74, %dma_start3A_75] : memref<416x64xf32, #tpu.memory_space<vmem>> -> memref<26x64xf32, #tpu.memory_space<vmem>>
      tpu.enqueue_dma source(%dma_start3A_76 : memref<26x64xf32, #tpu.memory_space<vmem>>) target(%dma_start3A_73 : memref<26x64xf32, #tpu.memory_space<hbm>>) target_semaphore(%arg15 : memref<!tpu.dma_semaphore, #tpu.memory_space<semaphore_mem>>)
      %add3A_77 = arith.constant 1 : i32
      %add3A_78 = arith.addi %add3A_14, %add3A_77 : i32
      %mul3A_79 = arith.constant 12 : i32
      %mul3A_80 = arith.muli %add3A_78, %mul3A_79 : i32
      %add3A_81 = arith.constant 4 : i32
      %add3A_82 = arith.addi %mul3A_80, %add3A_81 : i32
      %dma_start3A_83 = arith.constant 8 : i32
      %dma_start3A_84 = arith.constant 0 : i32
      %dma_start3A_85 = tpu.memref_slice %arg12[%dma_start3A_83, %dma_start3A_84] : memref<128x64xf32, #tpu.memory_space<vmem>> -> memref<8x64xf32, #tpu.memory_space<vmem>>
      %dma_start3A_86 = arith.constant 0 : i32
      %dma_start3A_87 = tpu.memref_slice %arg6[%add3A_82, %dma_start3A_86] : memref<196608x64xf32, #tpu.memory_space<hbm>> -> memref<8x64xf32, #tpu.memory_space<hbm>>
      %dma_start3A_88 = arith.constant 0 : i32
      %dma_start3A_89 = tpu.memref_slice %arg6[%add3A_82, %dma_start3A_88] : memref<196608x64xf32, #tpu.memory_space<hbm>> -> memref<8x64xf32, #tpu.memory_space<hbm>>
      %dma_start3A_90 = arith.constant 8 : i32
      %dma_start3A_91 = arith.constant 0 : i32
      %dma_start3A_92 = tpu.memref_slice %arg12[%dma_start3A_90, %dma_start3A_91] : memref<128x64xf32, #tpu.memory_space<vmem>> -> memref<8x64xf32, #tpu.memory_space<vmem>>
      tpu.enqueue_dma source(%dma_start3A_92 : memref<8x64xf32, #tpu.memory_space<vmem>>) target(%dma_start3A_89 : memref<8x64xf32, #tpu.memory_space<hbm>>) target_semaphore(%arg15 : memref<!tpu.dma_semaphore, #tpu.memory_space<semaphore_mem>>)
      %add3A_93 = arith.constant 2 : i32
      %add3A_94 = arith.addi %add3A_14, %add3A_93 : i32
      %mul3A_95 = arith.constant 39 : i32
      %mul3A_96 = arith.muli %add3A_94, %mul3A_95 : i32
      %add3A_97 = arith.constant 13 : i32
      %add3A_98 = arith.addi %mul3A_96, %add3A_97 : i32
      %dma_start3A_99 = arith.constant 52 : i32
      %dma_start3A_100 = arith.constant 0 : i32
      %dma_start3A_101 = tpu.memref_slice %arg11[%dma_start3A_99, %dma_start3A_100] : memref<416x64xf32, #tpu.memory_space<vmem>> -> memref<26x64xf32, #tpu.memory_space<vmem>>
      %dma_start3A_102 = arith.constant 0 : i32
      %dma_start3A_103 = tpu.memref_slice %arg5[%add3A_98, %dma_start3A_102] : memref<638976x64xf32, #tpu.memory_space<hbm>> -> memref<26x64xf32, #tpu.memory_space<hbm>>
      %dma_start3A_104 = arith.constant 0 : i32
      %dma_start3A_105 = tpu.memref_slice %arg5[%add3A_98, %dma_start3A_104] : memref<638976x64xf32, #tpu.memory_space<hbm>> -> memref<26x64xf32, #tpu.memory_space<hbm>>
      %dma_start3A_106 = arith.constant 52 : i32
      %dma_start3A_107 = arith.constant 0 : i32
      %dma_start3A_108 = tpu.memref_slice %arg11[%dma_start3A_106, %dma_start3A_107] : memref<416x64xf32, #tpu.memory_space<vmem>> -> memref<26x64xf32, #tpu.memory_space<vmem>>
      tpu.enqueue_dma source(%dma_start3A_108 : memref<26x64xf32, #tpu.memory_space<vmem>>) target(%dma_start3A_105 : memref<26x64xf32, #tpu.memory_space<hbm>>) target_semaphore(%arg15 : memref<!tpu.dma_semaphore, #tpu.memory_space<semaphore_mem>>)
      %add3A_109 = arith.constant 2 : i32
      %add3A_110 = arith.addi %add3A_14, %add3A_109 : i32
      %mul3A_111 = arith.constant 12 : i32
      %mul3A_112 = arith.muli %add3A_110, %mul3A_111 : i32
      %add3A_113 = arith.constant 4 : i32
      %add3A_114 = arith.addi %mul3A_112, %add3A_113 : i32
      %dma_start3A_115 = arith.constant 16 : i32
      %dma_start3A_116 = arith.constant 0 : i32
      %dma_start3A_117 = tpu.memref_slice %arg12[%dma_start3A_115, %dma_start3A_116] : memref<128x64xf32, #tpu.memory_space<vmem>> -> memref<8x64xf32, #tpu.memory_space<vmem>>
      %dma_start3A_118 = arith.constant 0 : i32
      %dma_start3A_119 = tpu.memref_slice %arg6[%add3A_114, %dma_start3A_118] : memref<196608x64xf32, #tpu.memory_space<hbm>> -> memref<8x64xf32, #tpu.memory_space<hbm>>
      %dma_start3A_120 = arith.constant 0 : i32
      %dma_start3A_121 = tpu.memref_slice %arg6[%add3A_114, %dma_start3A_120] : memref<196608x64xf32, #tpu.memory_space<hbm>> -> memref<8x64xf32, #tpu.memory_space<hbm>>
      %dma_start3A_122 = arith.constant 16 : i32
      %dma_start3A_123 = arith.constant 0 : i32
      %dma_start3A_124 = tpu.memref_slice %arg12[%dma_start3A_122, %dma_start3A_123] : memref<128x64xf32, #tpu.memory_space<vmem>> -> memref<8x64xf32, #tpu.memory_space<vmem>>
      tpu.enqueue_dma source(%dma_start3A_124 : memref<8x64xf32, #tpu.memory_space<vmem>>) target(%dma_start3A_121 : memref<8x64xf32, #tpu.memory_space<hbm>>) target_semaphore(%arg15 : memref<!tpu.dma_semaphore, #tpu.memory_space<semaphore_mem>>)
      %add3A_125 = arith.constant 3 : i32
      %add3A_126 = arith.addi %add3A_14, %add3A_125 : i32
      %mul3A_127 = arith.constant 39 : i32
      %mul3A_128 = arith.muli %add3A_126, %mul3A_127 : i32
      %add3A_129 = arith.constant 13 : i32
      %add3A_130 = arith.addi %mul3A_128, %add3A_129 : i32
      %dma_start3A_131 = arith.constant 78 : i32
      %dma_start3A_132 = arith.constant 0 : i32
      %dma_start3A_133 = tpu.memref_slice %arg11[%dma_start3A_131, %dma_start3A_132] : memref<416x64xf32, #tpu.memory_space<vmem>> -> memref<26x64xf32, #tpu.memory_space<vmem>>
      %dma_start3A_134 = arith.constant 0 : i32
      %dma_start3A_135 = tpu.memref_slice %arg5[%add3A_130, %dma_start3A_134] : memref<638976x64xf32, #tpu.memory_space<hbm>> -> memref<26x64xf32, #tpu.memory_space<hbm>>
      %dma_start3A_136 = arith.constant 0 : i32
      %dma_start3A_137 = tpu.memref_slice %arg5[%add3A_130, %dma_start3A_136] : memref<638976x64xf32, #tpu.memory_space<hbm>> -> memref<26x64xf32, #tpu.memory_space<hbm>>
      %dma_start3A_138 = arith.constant 78 : i32
      %dma_start3A_139 = arith.constant 0 : i32
      %dma_start3A_140 = tpu.memref_slice %arg11[%dma_start3A_138, %dma_start3A_139] : memref<416x64xf32, #tpu.memory_space<vmem>> -> memref<26x64xf32, #tpu.memory_space<vmem>>
      tpu.enqueue_dma source(%dma_start3A_140 : memref<26x64xf32, #tpu.memory_space<vmem>>) target(%dma_start3A_137 : memref<26x64xf32, #tpu.memory_space<hbm>>) target_semaphore(%arg15 : memref<!tpu.dma_semaphore, #tpu.memory_space<semaphore_mem>>)
      %add3A_141 = arith.constant 3 : i32
      %add3A_142 = arith.addi %add3A_14, %add3A_141 : i32
      %mul3A_143 = arith.constant 12 : i32
      %mul3A_144 = arith.muli %add3A_142, %mul3A_143 : i32
      %add3A_145 = arith.constant 4 : i32
      %add3A_146 = arith.addi %mul3A_144, %add3A_145 : i32
      %dma_start3A_147 = arith.constant 24 : i32
      %dma_start3A_148 = arith.constant 0 : i32
      %dma_start3A_149 = tpu.memref_slice %arg12[%dma_start3A_147, %dma_start3A_148] : memref<128x64xf32, #tpu.memory_space<vmem>> -> memref<8x64xf32, #tpu.memory_space<vmem>>
      %dma_start3A_150 = arith.constant 0 : i32
      %dma_start3A_151 = tpu.memref_slice %arg6[%add3A_146, %dma_start3A_150] : memref<196608x64xf32, #tpu.memory_space<hbm>> -> memref<8x64xf32, #tpu.memory_space<hbm>>
      %dma_start3A_152 = arith.constant 0 : i32
      %dma_start3A_153 = tpu.memref_slice %arg6[%add3A_146, %dma_start3A_152] : memref<196608x64xf32, #tpu.memory_space<hbm>> -> memref<8x64xf32, #tpu.memory_space<hbm>>
      %dma_start3A_154 = arith.constant 24 : i32
      %dma_start3A_155 = arith.constant 0 : i32
      %dma_start3A_156 = tpu.memref_slice %arg12[%dma_start3A_154, %dma_start3A_155] : memref<128x64xf32, #tpu.memory_space<vmem>> -> memref<8x64xf32, #tpu.memory_space<vmem>>
      tpu.enqueue_dma source(%dma_start3A_156 : memref<8x64xf32, #tpu.memory_space<vmem>>) target(%dma_start3A_153 : memref<8x64xf32, #tpu.memory_space<hbm>>) target_semaphore(%arg15 : memref<!tpu.dma_semaphore, #tpu.memory_space<semaphore_mem>>)
      %add3A_157 = arith.constant 4 : i32
      %add3A_158 = arith.addi %add3A_14, %add3A_157 : i32
      %mul3A_159 = arith.constant 39 : i32
      %mul3A_160 = arith.muli %add3A_158, %mul3A_159 : i32
      %add3A_161 = arith.constant 13 : i32
      %add3A_162 = arith.addi %mul3A_160, %add3A_161 : i32
      %dma_start3A_163 = arith.constant 104 : i32
      %dma_start3A_164 = arith.constant 0 : i32
      %dma_start3A_165 = tpu.memref_slice %arg11[%dma_start3A_163, %dma_start3A_164] : memref<416x64xf32, #tpu.memory_space<vmem>> -> memref<26x64xf32, #tpu.memory_space<vmem>>
      %dma_start3A_166 = arith.constant 0 : i32
      %dma_start3A_167 = tpu.memref_slice %arg5[%add3A_162, %dma_start3A_166] : memref<638976x64xf32, #tpu.memory_space<hbm>> -> memref<26x64xf32, #tpu.memory_space<hbm>>
      %dma_start3A_168 = arith.constant 0 : i32
      %dma_start3A_169 = tpu.memref_slice %arg5[%add3A_162, %dma_start3A_168] : memref<638976x64xf32, #tpu.memory_space<hbm>> -> memref<26x64xf32, #tpu.memory_space<hbm>>
      %dma_start3A_170 = arith.constant 104 : i32
      %dma_start3A_171 = arith.constant 0 : i32
      %dma_start3A_172 = tpu.memref_slice %arg11[%dma_start3A_170, %dma_start3A_171] : memref<416x64xf32, #tpu.memory_space<vmem>> -> memref<26x64xf32, #tpu.memory_space<vmem>>
      tpu.enqueue_dma source(%dma_start3A_172 : memref<26x64xf32, #tpu.memory_space<vmem>>) target(%dma_start3A_169 : memref<26x64xf32, #tpu.memory_space<hbm>>) target_semaphore(%arg15 : memref<!tpu.dma_semaphore, #tpu.memory_space<semaphore_mem>>)
      %add3A_173 = arith.constant 4 : i32
      %add3A_174 = arith.addi %add3A_14, %add3A_173 : i32
      %mul3A_175 = arith.constant 12 : i32
      %mul3A_176 = arith.muli %add3A_174, %mul3A_175 : i32
      %add3A_177 = arith.constant 4 : i32
      %add3A_178 = arith.addi %mul3A_176, %add3A_177 : i32
      %dma_start3A_179 = arith.constant 32 : i32
      %dma_start3A_180 = arith.constant 0 : i32
      %dma_start3A_181 = tpu.memref_slice %arg12[%dma_start3A_179, %dma_start3A_180] : memref<128x64xf32, #tpu.memory_space<vmem>> -> memref<8x64xf32, #tpu.memory_space<vmem>>
      %dma_start3A_182 = arith.constant 0 : i32
      %dma_start3A_183 = tpu.memref_slice %arg6[%add3A_178, %dma_start3A_182] : memref<196608x64xf32, #tpu.memory_space<hbm>> -> memref<8x64xf32, #tpu.memory_space<hbm>>
      %dma_start3A_184 = arith.constant 0 : i32
      %dma_start3A_185 = tpu.memref_slice %arg6[%add3A_178, %dma_start3A_184] : memref<196608x64xf32, #tpu.memory_space<hbm>> -> memref<8x64xf32, #tpu.memory_space<hbm>>
      %dma_start3A_186 = arith.constant 32 : i32
      %dma_start3A_187 = arith.constant 0 : i32
      %dma_start3A_188 = tpu.memref_slice %arg12[%dma_start3A_186, %dma_start3A_187] : memref<128x64xf32, #tpu.memory_space<vmem>> -> memref<8x64xf32, #tpu.memory_space<vmem>>
      tpu.enqueue_dma source(%dma_start3A_188 : memref<8x64xf32, #tpu.memory_space<vmem>>) target(%dma_start3A_185 : memref<8x64xf32, #tpu.memory_space<hbm>>) target_semaphore(%arg15 : memref<!tpu.dma_semaphore, #tpu.memory_space<semaphore_mem>>)
      %add3A_189 = arith.constant 5 : i32
      %add3A_190 = arith.addi %add3A_14, %add3A_189 : i32
      %mul3A_191 = arith.constant 39 : i32
      %mul3A_192 = arith.muli %add3A_190, %mul3A_191 : i32
      %add3A_193 = arith.constant 13 : i32
      %add3A_194 = arith.addi %mul3A_192, %add3A_193 : i32
      %dma_start3A_195 = arith.constant 130 : i32
      %dma_start3A_196 = arith.constant 0 : i32
      %dma_start3A_197 = tpu.memref_slice %arg11[%dma_start3A_195, %dma_start3A_196] : memref<416x64xf32, #tpu.memory_space<vmem>> -> memref<26x64xf32, #tpu.memory_space<vmem>>
      %dma_start3A_198 = arith.constant 0 : i32
      %dma_start3A_199 = tpu.memref_slice %arg5[%add3A_194, %dma_start3A_198] : memref<638976x64xf32, #tpu.memory_space<hbm>> -> memref<26x64xf32, #tpu.memory_space<hbm>>
      %dma_start3A_200 = arith.constant 0 : i32
      %dma_start3A_201 = tpu.memref_slice %arg5[%add3A_194, %dma_start3A_200] : memref<638976x64xf32, #tpu.memory_space<hbm>> -> memref<26x64xf32, #tpu.memory_space<hbm>>
      %dma_start3A_202 = arith.constant 130 : i32
      %dma_start3A_203 = arith.constant 0 : i32
      %dma_start3A_204 = tpu.memref_slice %arg11[%dma_start3A_202, %dma_start3A_203] : memref<416x64xf32, #tpu.memory_space<vmem>> -> memref<26x64xf32, #tpu.memory_space<vmem>>
      tpu.enqueue_dma source(%dma_start3A_204 : memref<26x64xf32, #tpu.memory_space<vmem>>) target(%dma_start3A_201 : memref<26x64xf32, #tpu.memory_space<hbm>>) target_semaphore(%arg15 : memref<!tpu.dma_semaphore, #tpu.memory_space<semaphore_mem>>)
      %add3A_205 = arith.constant 5 : i32
      %add3A_206 = arith.addi %add3A_14, %add3A_205 : i32
      %mul3A_207 = arith.constant 12 : i32
      %mul3A_208 = arith.muli %add3A_206, %mul3A_207 : i32
      %add3A_209 = arith.constant 4 : i32
      %add3A_210 = arith.addi %mul3A_208, %add3A_209 : i32
      %dma_start3A_211 = arith.constant 40 : i32
      %dma_start3A_212 = arith.constant 0 : i32
      %dma_start3A_213 = tpu.memref_slice %arg12[%dma_start3A_211, %dma_start3A_212] : memref<128x64xf32, #tpu.memory_space<vmem>> -> memref<8x64xf32, #tpu.memory_space<vmem>>
      %dma_start3A_214 = arith.constant 0 : i32
      %dma_start3A_215 = tpu.memref_slice %arg6[%add3A_210, %dma_start3A_214] : memref<196608x64xf32, #tpu.memory_space<hbm>> -> memref<8x64xf32, #tpu.memory_space<hbm>>
      %dma_start3A_216 = arith.constant 0 : i32
      %dma_start3A_217 = tpu.memref_slice %arg6[%add3A_210, %dma_start3A_216] : memref<196608x64xf32, #tpu.memory_space<hbm>> -> memref<8x64xf32, #tpu.memory_space<hbm>>
      %dma_start3A_218 = arith.constant 40 : i32
      %dma_start3A_219 = arith.constant 0 : i32
      %dma_start3A_220 = tpu.memref_slice %arg12[%dma_start3A_218, %dma_start3A_219] : memref<128x64xf32, #tpu.memory_space<vmem>> -> memref<8x64xf32, #tpu.memory_space<vmem>>
      tpu.enqueue_dma source(%dma_start3A_220 : memref<8x64xf32, #tpu.memory_space<vmem>>) target(%dma_start3A_217 : memref<8x64xf32, #tpu.memory_space<hbm>>) target_semaphore(%arg15 : memref<!tpu.dma_semaphore, #tpu.memory_space<semaphore_mem>>)
      %add3A_221 = arith.constant 6 : i32
      %add3A_222 = arith.addi %add3A_14, %add3A_221 : i32
      %mul3A_223 = arith.constant 39 : i32
      %mul3A_224 = arith.muli %add3A_222, %mul3A_223 : i32
      %add3A_225 = arith.constant 13 : i32
      %add3A_226 = arith.addi %mul3A_224, %add3A_225 : i32
      %dma_start3A_227 = arith.constant 156 : i32
      %dma_start3A_228 = arith.constant 0 : i32
      %dma_start3A_229 = tpu.memref_slice %arg11[%dma_start3A_227, %dma_start3A_228] : memref<416x64xf32, #tpu.memory_space<vmem>> -> memref<26x64xf32, #tpu.memory_space<vmem>>
      %dma_start3A_230 = arith.constant 0 : i32
      %dma_start3A_231 = tpu.memref_slice %arg5[%add3A_226, %dma_start3A_230] : memref<638976x64xf32, #tpu.memory_space<hbm>> -> memref<26x64xf32, #tpu.memory_space<hbm>>
      %dma_start3A_232 = arith.constant 0 : i32
      %dma_start3A_233 = tpu.memref_slice %arg5[%add3A_226, %dma_start3A_232] : memref<638976x64xf32, #tpu.memory_space<hbm>> -> memref<26x64xf32, #tpu.memory_space<hbm>>
      %dma_start3A_234 = arith.constant 156 : i32
      %dma_start3A_235 = arith.constant 0 : i32
      %dma_start3A_236 = tpu.memref_slice %arg11[%dma_start3A_234, %dma_start3A_235] : memref<416x64xf32, #tpu.memory_space<vmem>> -> memref<26x64xf32, #tpu.memory_space<vmem>>
      tpu.enqueue_dma source(%dma_start3A_236 : memref<26x64xf32, #tpu.memory_space<vmem>>) target(%dma_start3A_233 : memref<26x64xf32, #tpu.memory_space<hbm>>) target_semaphore(%arg15 : memref<!tpu.dma_semaphore, #tpu.memory_space<semaphore_mem>>)
      %add3A_237 = arith.constant 6 : i32
      %add3A_238 = arith.addi %add3A_14, %add3A_237 : i32
      %mul3A_239 = arith.constant 12 : i32
      %mul3A_240 = arith.muli %add3A_238, %mul3A_239 : i32
      %add3A_241 = arith.constant 4 : i32
      %add3A_242 = arith.addi %mul3A_240, %add3A_241 : i32
      %dma_start3A_243 = arith.constant 48 : i32
      %dma_start3A_244 = arith.constant 0 : i32
      %dma_start3A_245 = tpu.memref_slice %arg12[%dma_start3A_243, %dma_start3A_244] : memref<128x64xf32, #tpu.memory_space<vmem>> -> memref<8x64xf32, #tpu.memory_space<vmem>>
      %dma_start3A_246 = arith.constant 0 : i32
      %dma_start3A_247 = tpu.memref_slice %arg6[%add3A_242, %dma_start3A_246] : memref<196608x64xf32, #tpu.memory_space<hbm>> -> memref<8x64xf32, #tpu.memory_space<hbm>>
      %dma_start3A_248 = arith.constant 0 : i32
      %dma_start3A_249 = tpu.memref_slice %arg6[%add3A_242, %dma_start3A_248] : memref<196608x64xf32, #tpu.memory_space<hbm>> -> memref<8x64xf32, #tpu.memory_space<hbm>>
      %dma_start3A_250 = arith.constant 48 : i32
      %dma_start3A_251 = arith.constant 0 : i32
      %dma_start3A_252 = tpu.memref_slice %arg12[%dma_start3A_250, %dma_start3A_251] : memref<128x64xf32, #tpu.memory_space<vmem>> -> memref<8x64xf32, #tpu.memory_space<vmem>>
      tpu.enqueue_dma source(%dma_start3A_252 : memref<8x64xf32, #tpu.memory_space<vmem>>) target(%dma_start3A_249 : memref<8x64xf32, #tpu.memory_space<hbm>>) target_semaphore(%arg15 : memref<!tpu.dma_semaphore, #tpu.memory_space<semaphore_mem>>)
      %add3A_253 = arith.constant 7 : i32
      %add3A_254 = arith.addi %add3A_14, %add3A_253 : i32
      %mul3A_255 = arith.constant 39 : i32
      %mul3A_256 = arith.muli %add3A_254, %mul3A_255 : i32
      %add3A_257 = arith.constant 13 : i32
      %add3A_258 = arith.addi %mul3A_256, %add3A_257 : i32
      %dma_start3A_259 = arith.constant 182 : i32
      %dma_start3A_260 = arith.constant 0 : i32
      %dma_start3A_261 = tpu.memref_slice %arg11[%dma_start3A_259, %dma_start3A_260] : memref<416x64xf32, #tpu.memory_space<vmem>> -> memref<26x64xf32, #tpu.memory_space<vmem>>
      %dma_start3A_262 = arith.constant 0 : i32
      %dma_start3A_263 = tpu.memref_slice %arg5[%add3A_258, %dma_start3A_262] : memref<638976x64xf32, #tpu.memory_space<hbm>> -> memref<26x64xf32, #tpu.memory_space<hbm>>
      %dma_start3A_264 = arith.constant 0 : i32
      %dma_start3A_265 = tpu.memref_slice %arg5[%add3A_258, %dma_start3A_264] : memref<638976x64xf32, #tpu.memory_space<hbm>> -> memref<26x64xf32, #tpu.memory_space<hbm>>
      %dma_start3A_266 = arith.constant 182 : i32
      %dma_start3A_267 = arith.constant 0 : i32
      %dma_start3A_268 = tpu.memref_slice %arg11[%dma_start3A_266, %dma_start3A_267] : memref<416x64xf32, #tpu.memory_space<vmem>> -> memref<26x64xf32, #tpu.memory_space<vmem>>
      tpu.enqueue_dma source(%dma_start3A_268 : memref<26x64xf32, #tpu.memory_space<vmem>>) target(%dma_start3A_265 : memref<26x64xf32, #tpu.memory_space<hbm>>) target_semaphore(%arg15 : memref<!tpu.dma_semaphore, #tpu.memory_space<semaphore_mem>>)
      %add3A_269 = arith.constant 7 : i32
      %add3A_270 = arith.addi %add3A_14, %add3A_269 : i32
      %mul3A_271 = arith.constant 12 : i32
      %mul3A_272 = arith.muli %add3A_270, %mul3A_271 : i32
      %add3A_273 = arith.constant 4 : i32
      %add3A_274 = arith.addi %mul3A_272, %add3A_273 : i32
      %dma_start3A_275 = arith.constant 56 : i32
      %dma_start3A_276 = arith.constant 0 : i32
      %dma_start3A_277 = tpu.memref_slice %arg12[%dma_start3A_275, %dma_start3A_276] : memref<128x64xf32, #tpu.memory_space<vmem>> -> memref<8x64xf32, #tpu.memory_space<vmem>>
      %dma_start3A_278 = arith.constant 0 : i32
      %dma_start3A_279 = tpu.memref_slice %arg6[%add3A_274, %dma_start3A_278] : memref<196608x64xf32, #tpu.memory_space<hbm>> -> memref<8x64xf32, #tpu.memory_space<hbm>>
      %dma_start3A_280 = arith.constant 0 : i32
      %dma_start3A_281 = tpu.memref_slice %arg6[%add3A_274, %dma_start3A_280] : memref<196608x64xf32, #tpu.memory_space<hbm>> -> memref<8x64xf32, #tpu.memory_space<hbm>>
      %dma_start3A_282 = arith.constant 56 : i32
      %dma_start3A_283 = arith.constant 0 : i32
      %dma_start3A_284 = tpu.memref_slice %arg12[%dma_start3A_282, %dma_start3A_283] : memref<128x64xf32, #tpu.memory_space<vmem>> -> memref<8x64xf32, #tpu.memory_space<vmem>>
      tpu.enqueue_dma source(%dma_start3A_284 : memref<8x64xf32, #tpu.memory_space<vmem>>) target(%dma_start3A_281 : memref<8x64xf32, #tpu.memory_space<hbm>>) target_semaphore(%arg15 : memref<!tpu.dma_semaphore, #tpu.memory_space<semaphore_mem>>)
      %add3A_285 = arith.constant 8 : i32
      %add3A_286 = arith.addi %add3A_14, %add3A_285 : i32
      %mul3A_287 = arith.constant 39 : i32
      %mul3A_288 = arith.muli %add3A_286, %mul3A_287 : i32
      %add3A_289 = arith.constant 13 : i32
      %add3A_290 = arith.addi %mul3A_288, %add3A_289 : i32
      %dma_start3A_291 = arith.constant 208 : i32
      %dma_start3A_292 = arith.constant 0 : i32
      %dma_start3A_293 = tpu.memref_slice %arg11[%dma_start3A_291, %dma_start3A_292] : memref<416x64xf32, #tpu.memory_space<vmem>> -> memref<26x64xf32, #tpu.memory_space<vmem>>
      %dma_start3A_294 = arith.constant 0 : i32
      %dma_start3A_295 = tpu.memref_slice %arg5[%add3A_290, %dma_start3A_294] : memref<638976x64xf32, #tpu.memory_space<hbm>> -> memref<26x64xf32, #tpu.memory_space<hbm>>
      %dma_start3A_296 = arith.constant 0 : i32
      %dma_start3A_297 = tpu.memref_slice %arg5[%add3A_290, %dma_start3A_296] : memref<638976x64xf32, #tpu.memory_space<hbm>> -> memref<26x64xf32, #tpu.memory_space<hbm>>
      %dma_start3A_298 = arith.constant 208 : i32
      %dma_start3A_299 = arith.constant 0 : i32
      %dma_start3A_300 = tpu.memref_slice %arg11[%dma_start3A_298, %dma_start3A_299] : memref<416x64xf32, #tpu.memory_space<vmem>> -> memref<26x64xf32, #tpu.memory_space<vmem>>
      tpu.enqueue_dma source(%dma_start3A_300 : memref<26x64xf32, #tpu.memory_space<vmem>>) target(%dma_start3A_297 : memref<26x64xf32, #tpu.memory_space<hbm>>) target_semaphore(%arg15 : memref<!tpu.dma_semaphore, #tpu.memory_space<semaphore_mem>>)
      %add3A_301 = arith.constant 8 : i32
      %add3A_302 = arith.addi %add3A_14, %add3A_301 : i32
      %mul3A_303 = arith.constant 12 : i32
      %mul3A_304 = arith.muli %add3A_302, %mul3A_303 : i32
      %add3A_305 = arith.constant 4 : i32
      %add3A_306 = arith.addi %mul3A_304, %add3A_305 : i32
      %dma_start3A_307 = arith.constant 64 : i32
      %dma_start3A_308 = arith.constant 0 : i32
      %dma_start3A_309 = tpu.memref_slice %arg12[%dma_start3A_307, %dma_start3A_308] : memref<128x64xf32, #tpu.memory_space<vmem>> -> memref<8x64xf32, #tpu.memory_space<vmem>>
      %dma_start3A_310 = arith.constant 0 : i32
      %dma_start3A_311 = tpu.memref_slice %arg6[%add3A_306, %dma_start3A_310] : memref<196608x64xf32, #tpu.memory_space<hbm>> -> memref<8x64xf32, #tpu.memory_space<hbm>>
      %dma_start3A_312 = arith.constant 0 : i32
      %dma_start3A_313 = tpu.memref_slice %arg6[%add3A_306, %dma_start3A_312] : memref<196608x64xf32, #tpu.memory_space<hbm>> -> memref<8x64xf32, #tpu.memory_space<hbm>>
      %dma_start3A_314 = arith.constant 64 : i32
      %dma_start3A_315 = arith.constant 0 : i32
      %dma_start3A_316 = tpu.memref_slice %arg12[%dma_start3A_314, %dma_start3A_315] : memref<128x64xf32, #tpu.memory_space<vmem>> -> memref<8x64xf32, #tpu.memory_space<vmem>>
      tpu.enqueue_dma source(%dma_start3A_316 : memref<8x64xf32, #tpu.memory_space<vmem>>) target(%dma_start3A_313 : memref<8x64xf32, #tpu.memory_space<hbm>>) target_semaphore(%arg15 : memref<!tpu.dma_semaphore, #tpu.memory_space<semaphore_mem>>)
      %add3A_317 = arith.constant 9 : i32
      %add3A_318 = arith.addi %add3A_14, %add3A_317 : i32
      %mul3A_319 = arith.constant 39 : i32
      %mul3A_320 = arith.muli %add3A_318, %mul3A_319 : i32
      %add3A_321 = arith.constant 13 : i32
      %add3A_322 = arith.addi %mul3A_320, %add3A_321 : i32
      %dma_start3A_323 = arith.constant 234 : i32
      %dma_start3A_324 = arith.constant 0 : i32
      %dma_start3A_325 = tpu.memref_slice %arg11[%dma_start3A_323, %dma_start3A_324] : memref<416x64xf32, #tpu.memory_space<vmem>> -> memref<26x64xf32, #tpu.memory_space<vmem>>
      %dma_start3A_326 = arith.constant 0 : i32
      %dma_start3A_327 = tpu.memref_slice %arg5[%add3A_322, %dma_start3A_326] : memref<638976x64xf32, #tpu.memory_space<hbm>> -> memref<26x64xf32, #tpu.memory_space<hbm>>
      %dma_start3A_328 = arith.constant 0 : i32
      %dma_start3A_329 = tpu.memref_slice %arg5[%add3A_322, %dma_start3A_328] : memref<638976x64xf32, #tpu.memory_space<hbm>> -> memref<26x64xf32, #tpu.memory_space<hbm>>
      %dma_start3A_330 = arith.constant 234 : i32
      %dma_start3A_331 = arith.constant 0 : i32
      %dma_start3A_332 = tpu.memref_slice %arg11[%dma_start3A_330, %dma_start3A_331] : memref<416x64xf32, #tpu.memory_space<vmem>> -> memref<26x64xf32, #tpu.memory_space<vmem>>
      tpu.enqueue_dma source(%dma_start3A_332 : memref<26x64xf32, #tpu.memory_space<vmem>>) target(%dma_start3A_329 : memref<26x64xf32, #tpu.memory_space<hbm>>) target_semaphore(%arg15 : memref<!tpu.dma_semaphore, #tpu.memory_space<semaphore_mem>>)
      %add3A_333 = arith.constant 9 : i32
      %add3A_334 = arith.addi %add3A_14, %add3A_333 : i32
      %mul3A_335 = arith.constant 12 : i32
      %mul3A_336 = arith.muli %add3A_334, %mul3A_335 : i32
      %add3A_337 = arith.constant 4 : i32
      %add3A_338 = arith.addi %mul3A_336, %add3A_337 : i32
      %dma_start3A_339 = arith.constant 72 : i32
      %dma_start3A_340 = arith.constant 0 : i32
      %dma_start3A_341 = tpu.memref_slice %arg12[%dma_start3A_339, %dma_start3A_340] : memref<128x64xf32, #tpu.memory_space<vmem>> -> memref<8x64xf32, #tpu.memory_space<vmem>>
      %dma_start3A_342 = arith.constant 0 : i32
      %dma_start3A_343 = tpu.memref_slice %arg6[%add3A_338, %dma_start3A_342] : memref<196608x64xf32, #tpu.memory_space<hbm>> -> memref<8x64xf32, #tpu.memory_space<hbm>>
      %dma_start3A_344 = arith.constant 0 : i32
      %dma_start3A_345 = tpu.memref_slice %arg6[%add3A_338, %dma_start3A_344] : memref<196608x64xf32, #tpu.memory_space<hbm>> -> memref<8x64xf32, #tpu.memory_space<hbm>>
      %dma_start3A_346 = arith.constant 72 : i32
      %dma_start3A_347 = arith.constant 0 : i32
      %dma_start3A_348 = tpu.memref_slice %arg12[%dma_start3A_346, %dma_start3A_347] : memref<128x64xf32, #tpu.memory_space<vmem>> -> memref<8x64xf32, #tpu.memory_space<vmem>>
      tpu.enqueue_dma source(%dma_start3A_348 : memref<8x64xf32, #tpu.memory_space<vmem>>) target(%dma_start3A_345 : memref<8x64xf32, #tpu.memory_space<hbm>>) target_semaphore(%arg15 : memref<!tpu.dma_semaphore, #tpu.memory_space<semaphore_mem>>)
      %add3A_349 = arith.constant 10 : i32
      %add3A_350 = arith.addi %add3A_14, %add3A_349 : i32
      %mul3A_351 = arith.constant 39 : i32
      %mul3A_352 = arith.muli %add3A_350, %mul3A_351 : i32
      %add3A_353 = arith.constant 13 : i32
      %add3A_354 = arith.addi %mul3A_352, %add3A_353 : i32
      %dma_start3A_355 = arith.constant 260 : i32
      %dma_start3A_356 = arith.constant 0 : i32
      %dma_start3A_357 = tpu.memref_slice %arg11[%dma_start3A_355, %dma_start3A_356] : memref<416x64xf32, #tpu.memory_space<vmem>> -> memref<26x64xf32, #tpu.memory_space<vmem>>
      %dma_start3A_358 = arith.constant 0 : i32
      %dma_start3A_359 = tpu.memref_slice %arg5[%add3A_354, %dma_start3A_358] : memref<638976x64xf32, #tpu.memory_space<hbm>> -> memref<26x64xf32, #tpu.memory_space<hbm>>
      %dma_start3A_360 = arith.constant 0 : i32
      %dma_start3A_361 = tpu.memref_slice %arg5[%add3A_354, %dma_start3A_360] : memref<638976x64xf32, #tpu.memory_space<hbm>> -> memref<26x64xf32, #tpu.memory_space<hbm>>
      %dma_start3A_362 = arith.constant 260 : i32
      %dma_start3A_363 = arith.constant 0 : i32
      %dma_start3A_364 = tpu.memref_slice %arg11[%dma_start3A_362, %dma_start3A_363] : memref<416x64xf32, #tpu.memory_space<vmem>> -> memref<26x64xf32, #tpu.memory_space<vmem>>
      tpu.enqueue_dma source(%dma_start3A_364 : memref<26x64xf32, #tpu.memory_space<vmem>>) target(%dma_start3A_361 : memref<26x64xf32, #tpu.memory_space<hbm>>) target_semaphore(%arg15 : memref<!tpu.dma_semaphore, #tpu.memory_space<semaphore_mem>>)
      %add3A_365 = arith.constant 10 : i32
      %add3A_366 = arith.addi %add3A_14, %add3A_365 : i32
      %mul3A_367 = arith.constant 12 : i32
      %mul3A_368 = arith.muli %add3A_366, %mul3A_367 : i32
      %add3A_369 = arith.constant 4 : i32
      %add3A_370 = arith.addi %mul3A_368, %add3A_369 : i32
      %dma_start3A_371 = arith.constant 80 : i32
      %dma_start3A_372 = arith.constant 0 : i32
      %dma_start3A_373 = tpu.memref_slice %arg12[%dma_start3A_371, %dma_start3A_372] : memref<128x64xf32, #tpu.memory_space<vmem>> -> memref<8x64xf32, #tpu.memory_space<vmem>>
      %dma_start3A_374 = arith.constant 0 : i32
      %dma_start3A_375 = tpu.memref_slice %arg6[%add3A_370, %dma_start3A_374] : memref<196608x64xf32, #tpu.memory_space<hbm>> -> memref<8x64xf32, #tpu.memory_space<hbm>>
      %dma_start3A_376 = arith.constant 0 : i32
      %dma_start3A_377 = tpu.memref_slice %arg6[%add3A_370, %dma_start3A_376] : memref<196608x64xf32, #tpu.memory_space<hbm>> -> memref<8x64xf32, #tpu.memory_space<hbm>>
      %dma_start3A_378 = arith.constant 80 : i32
      %dma_start3A_379 = arith.constant 0 : i32
      %dma_start3A_380 = tpu.memref_slice %arg12[%dma_start3A_378, %dma_start3A_379] : memref<128x64xf32, #tpu.memory_space<vmem>> -> memref<8x64xf32, #tpu.memory_space<vmem>>
      tpu.enqueue_dma source(%dma_start3A_380 : memref<8x64xf32, #tpu.memory_space<vmem>>) target(%dma_start3A_377 : memref<8x64xf32, #tpu.memory_space<hbm>>) target_semaphore(%arg15 : memref<!tpu.dma_semaphore, #tpu.memory_space<semaphore_mem>>)
      %add3A_381 = arith.constant 11 : i32
      %add3A_382 = arith.addi %add3A_14, %add3A_381 : i32
      %mul3A_383 = arith.constant 39 : i32
      %mul3A_384 = arith.muli %add3A_382, %mul3A_383 : i32
      %add3A_385 = arith.constant 13 : i32
      %add3A_386 = arith.addi %mul3A_384, %add3A_385 : i32
      %dma_start3A_387 = arith.constant 286 : i32
      %dma_start3A_388 = arith.constant 0 : i32
      %dma_start3A_389 = tpu.memref_slice %arg11[%dma_start3A_387, %dma_start3A_388] : memref<416x64xf32, #tpu.memory_space<vmem>> -> memref<26x64xf32, #tpu.memory_space<vmem>>
      %dma_start3A_390 = arith.constant 0 : i32
      %dma_start3A_391 = tpu.memref_slice %arg5[%add3A_386, %dma_start3A_390] : memref<638976x64xf32, #tpu.memory_space<hbm>> -> memref<26x64xf32, #tpu.memory_space<hbm>>
      %dma_start3A_392 = arith.constant 0 : i32
      %dma_start3A_393 = tpu.memref_slice %arg5[%add3A_386, %dma_start3A_392] : memref<638976x64xf32, #tpu.memory_space<hbm>> -> memref<26x64xf32, #tpu.memory_space<hbm>>
      %dma_start3A_394 = arith.constant 286 : i32
      %dma_start3A_395 = arith.constant 0 : i32
      %dma_start3A_396 = tpu.memref_slice %arg11[%dma_start3A_394, %dma_start3A_395] : memref<416x64xf32, #tpu.memory_space<vmem>> -> memref<26x64xf32, #tpu.memory_space<vmem>>
      tpu.enqueue_dma source(%dma_start3A_396 : memref<26x64xf32, #tpu.memory_space<vmem>>) target(%dma_start3A_393 : memref<26x64xf32, #tpu.memory_space<hbm>>) target_semaphore(%arg15 : memref<!tpu.dma_semaphore, #tpu.memory_space<semaphore_mem>>)
      %add3A_397 = arith.constant 11 : i32
      %add3A_398 = arith.addi %add3A_14, %add3A_397 : i32
      %mul3A_399 = arith.constant 12 : i32
      %mul3A_400 = arith.muli %add3A_398, %mul3A_399 : i32
      %add3A_401 = arith.constant 4 : i32
      %add3A_402 = arith.addi %mul3A_400, %add3A_401 : i32
      %dma_start3A_403 = arith.constant 88 : i32
      %dma_start3A_404 = arith.constant 0 : i32
      %dma_start3A_405 = tpu.memref_slice %arg12[%dma_start3A_403, %dma_start3A_404] : memref<128x64xf32, #tpu.memory_space<vmem>> -> memref<8x64xf32, #tpu.memory_space<vmem>>
      %dma_start3A_406 = arith.constant 0 : i32
      %dma_start3A_407 = tpu.memref_slice %arg6[%add3A_402, %dma_start3A_406] : memref<196608x64xf32, #tpu.memory_space<hbm>> -> memref<8x64xf32, #tpu.memory_space<hbm>>
      %dma_start3A_408 = arith.constant 0 : i32
      %dma_start3A_409 = tpu.memref_slice %arg6[%add3A_402, %dma_start3A_408] : memref<196608x64xf32, #tpu.memory_space<hbm>> -> memref<8x64xf32, #tpu.memory_space<hbm>>
      %dma_start3A_410 = arith.constant 88 : i32
      %dma_start3A_411 = arith.constant 0 : i32
      %dma_start3A_412 = tpu.memref_slice %arg12[%dma_start3A_410, %dma_start3A_411] : memref<128x64xf32, #tpu.memory_space<vmem>> -> memref<8x64xf32, #tpu.memory_space<vmem>>
      tpu.enqueue_dma source(%dma_start3A_412 : memref<8x64xf32, #tpu.memory_space<vmem>>) target(%dma_start3A_409 : memref<8x64xf32, #tpu.memory_space<hbm>>) target_semaphore(%arg15 : memref<!tpu.dma_semaphore, #tpu.memory_space<semaphore_mem>>)
      %add3A_413 = arith.constant 12 : i32
      %add3A_414 = arith.addi %add3A_14, %add3A_413 : i32
      %mul3A_415 = arith.constant 39 : i32
      %mul3A_416 = arith.muli %add3A_414, %mul3A_415 : i32
      %add3A_417 = arith.constant 13 : i32
      %add3A_418 = arith.addi %mul3A_416, %add3A_417 : i32
      %dma_start3A_419 = arith.constant 312 : i32
      %dma_start3A_420 = arith.constant 0 : i32
      %dma_start3A_421 = tpu.memref_slice %arg11[%dma_start3A_419, %dma_start3A_420] : memref<416x64xf32, #tpu.memory_space<vmem>> -> memref<26x64xf32, #tpu.memory_space<vmem>>
      %dma_start3A_422 = arith.constant 0 : i32
      %dma_start3A_423 = tpu.memref_slice %arg5[%add3A_418, %dma_start3A_422] : memref<638976x64xf32, #tpu.memory_space<hbm>> -> memref<26x64xf32, #tpu.memory_space<hbm>>
      %dma_start3A_424 = arith.constant 0 : i32
      %dma_start3A_425 = tpu.memref_slice %arg5[%add3A_418, %dma_start3A_424] : memref<638976x64xf32, #tpu.memory_space<hbm>> -> memref<26x64xf32, #tpu.memory_space<hbm>>
      %dma_start3A_426 = arith.constant 312 : i32
      %dma_start3A_427 = arith.constant 0 : i32
      %dma_start3A_428 = tpu.memref_slice %arg11[%dma_start3A_426, %dma_start3A_427] : memref<416x64xf32, #tpu.memory_space<vmem>> -> memref<26x64xf32, #tpu.memory_space<vmem>>
      tpu.enqueue_dma source(%dma_start3A_428 : memref<26x64xf32, #tpu.memory_space<vmem>>) target(%dma_start3A_425 : memref<26x64xf32, #tpu.memory_space<hbm>>) target_semaphore(%arg15 : memref<!tpu.dma_semaphore, #tpu.memory_space<semaphore_mem>>)
      %add3A_429 = arith.constant 12 : i32
      %add3A_430 = arith.addi %add3A_14, %add3A_429 : i32
      %mul3A_431 = arith.constant 12 : i32
      %mul3A_432 = arith.muli %add3A_430, %mul3A_431 : i32
      %add3A_433 = arith.constant 4 : i32
      %add3A_434 = arith.addi %mul3A_432, %add3A_433 : i32
      %dma_start3A_435 = arith.constant 96 : i32
      %dma_start3A_436 = arith.constant 0 : i32
      %dma_start3A_437 = tpu.memref_slice %arg12[%dma_start3A_435, %dma_start3A_436] : memref<128x64xf32, #tpu.memory_space<vmem>> -> memref<8x64xf32, #tpu.memory_space<vmem>>
      %dma_start3A_438 = arith.constant 0 : i32
      %dma_start3A_439 = tpu.memref_slice %arg6[%add3A_434, %dma_start3A_438] : memref<196608x64xf32, #tpu.memory_space<hbm>> -> memref<8x64xf32, #tpu.memory_space<hbm>>
      %dma_start3A_440 = arith.constant 0 : i32
      %dma_start3A_441 = tpu.memref_slice %arg6[%add3A_434, %dma_start3A_440] : memref<196608x64xf32, #tpu.memory_space<hbm>> -> memref<8x64xf32, #tpu.memory_space<hbm>>
      %dma_start3A_442 = arith.constant 96 : i32
      %dma_start3A_443 = arith.constant 0 : i32
      %dma_start3A_444 = tpu.memref_slice %arg12[%dma_start3A_442, %dma_start3A_443] : memref<128x64xf32, #tpu.memory_space<vmem>> -> memref<8x64xf32, #tpu.memory_space<vmem>>
      tpu.enqueue_dma source(%dma_start3A_444 : memref<8x64xf32, #tpu.memory_space<vmem>>) target(%dma_start3A_441 : memref<8x64xf32, #tpu.memory_space<hbm>>) target_semaphore(%arg15 : memref<!tpu.dma_semaphore, #tpu.memory_space<semaphore_mem>>)
      %add3A_445 = arith.constant 13 : i32
      %add3A_446 = arith.addi %add3A_14, %add3A_445 : i32
      %mul3A_447 = arith.constant 39 : i32
      %mul3A_448 = arith.muli %add3A_446, %mul3A_447 : i32
      %add3A_449 = arith.constant 13 : i32
      %add3A_450 = arith.addi %mul3A_448, %add3A_449 : i32
      %dma_start3A_451 = arith.constant 338 : i32
      %dma_start3A_452 = arith.constant 0 : i32
      %dma_start3A_453 = tpu.memref_slice %arg11[%dma_start3A_451, %dma_start3A_452] : memref<416x64xf32, #tpu.memory_space<vmem>> -> memref<26x64xf32, #tpu.memory_space<vmem>>
      %dma_start3A_454 = arith.constant 0 : i32
      %dma_start3A_455 = tpu.memref_slice %arg5[%add3A_450, %dma_start3A_454] : memref<638976x64xf32, #tpu.memory_space<hbm>> -> memref<26x64xf32, #tpu.memory_space<hbm>>
      %dma_start3A_456 = arith.constant 0 : i32
      %dma_start3A_457 = tpu.memref_slice %arg5[%add3A_450, %dma_start3A_456] : memref<638976x64xf32, #tpu.memory_space<hbm>> -> memref<26x64xf32, #tpu.memory_space<hbm>>
      %dma_start3A_458 = arith.constant 338 : i32
      %dma_start3A_459 = arith.constant 0 : i32
      %dma_start3A_460 = tpu.memref_slice %arg11[%dma_start3A_458, %dma_start3A_459] : memref<416x64xf32, #tpu.memory_space<vmem>> -> memref<26x64xf32, #tpu.memory_space<vmem>>
      tpu.enqueue_dma source(%dma_start3A_460 : memref<26x64xf32, #tpu.memory_space<vmem>>) target(%dma_start3A_457 : memref<26x64xf32, #tpu.memory_space<hbm>>) target_semaphore(%arg15 : memref<!tpu.dma_semaphore, #tpu.memory_space<semaphore_mem>>)
      %add3A_461 = arith.constant 13 : i32
      %add3A_462 = arith.addi %add3A_14, %add3A_461 : i32
      %mul3A_463 = arith.constant 12 : i32
      %mul3A_464 = arith.muli %add3A_462, %mul3A_463 : i32
      %add3A_465 = arith.constant 4 : i32
      %add3A_466 = arith.addi %mul3A_464, %add3A_465 : i32
      %dma_start3A_467 = arith.constant 104 : i32
      %dma_start3A_468 = arith.constant 0 : i32
      %dma_start3A_469 = tpu.memref_slice %arg12[%dma_start3A_467, %dma_start3A_468] : memref<128x64xf32, #tpu.memory_space<vmem>> -> memref<8x64xf32, #tpu.memory_space<vmem>>
      %dma_start3A_470 = arith.constant 0 : i32
      %dma_start3A_471 = tpu.memref_slice %arg6[%add3A_466, %dma_start3A_470] : memref<196608x64xf32, #tpu.memory_space<hbm>> -> memref<8x64xf32, #tpu.memory_space<hbm>>
      %dma_start3A_472 = arith.constant 0 : i32
      %dma_start3A_473 = tpu.memref_slice %arg6[%add3A_466, %dma_start3A_472] : memref<196608x64xf32, #tpu.memory_space<hbm>> -> memref<8x64xf32, #tpu.memory_space<hbm>>
      %dma_start3A_474 = arith.constant 104 : i32
      %dma_start3A_475 = arith.constant 0 : i32
      %dma_start3A_476 = tpu.memref_slice %arg12[%dma_start3A_474, %dma_start3A_475] : memref<128x64xf32, #tpu.memory_space<vmem>> -> memref<8x64xf32, #tpu.memory_space<vmem>>
      tpu.enqueue_dma source(%dma_start3A_476 : memref<8x64xf32, #tpu.memory_space<vmem>>) target(%dma_start3A_473 : memref<8x64xf32, #tpu.memory_space<hbm>>) target_semaphore(%arg15 : memref<!tpu.dma_semaphore, #tpu.memory_space<semaphore_mem>>)
      %add3A_477 = arith.constant 14 : i32
      %add3A_478 = arith.addi %add3A_14, %add3A_477 : i32
      %mul3A_479 = arith.constant 39 : i32
      %mul3A_480 = arith.muli %add3A_478, %mul3A_479 : i32
      %add3A_481 = arith.constant 13 : i32
      %add3A_482 = arith.addi %mul3A_480, %add3A_481 : i32
      %dma_start3A_483 = arith.constant 364 : i32
      %dma_start3A_484 = arith.constant 0 : i32
      %dma_start3A_485 = tpu.memref_slice %arg11[%dma_start3A_483, %dma_start3A_484] : memref<416x64xf32, #tpu.memory_space<vmem>> -> memref<26x64xf32, #tpu.memory_space<vmem>>
      %dma_start3A_486 = arith.constant 0 : i32
      %dma_start3A_487 = tpu.memref_slice %arg5[%add3A_482, %dma_start3A_486] : memref<638976x64xf32, #tpu.memory_space<hbm>> -> memref<26x64xf32, #tpu.memory_space<hbm>>
      %dma_start3A_488 = arith.constant 0 : i32
      %dma_start3A_489 = tpu.memref_slice %arg5[%add3A_482, %dma_start3A_488] : memref<638976x64xf32, #tpu.memory_space<hbm>> -> memref<26x64xf32, #tpu.memory_space<hbm>>
      %dma_start3A_490 = arith.constant 364 : i32
      %dma_start3A_491 = arith.constant 0 : i32
      %dma_start3A_492 = tpu.memref_slice %arg11[%dma_start3A_490, %dma_start3A_491] : memref<416x64xf32, #tpu.memory_space<vmem>> -> memref<26x64xf32, #tpu.memory_space<vmem>>
      tpu.enqueue_dma source(%dma_start3A_492 : memref<26x64xf32, #tpu.memory_space<vmem>>) target(%dma_start3A_489 : memref<26x64xf32, #tpu.memory_space<hbm>>) target_semaphore(%arg15 : memref<!tpu.dma_semaphore, #tpu.memory_space<semaphore_mem>>)
      %add3A_493 = arith.constant 14 : i32
      %add3A_494 = arith.addi %add3A_14, %add3A_493 : i32
      %mul3A_495 = arith.constant 12 : i32
      %mul3A_496 = arith.muli %add3A_494, %mul3A_495 : i32
      %add3A_497 = arith.constant 4 : i32
      %add3A_498 = arith.addi %mul3A_496, %add3A_497 : i32
      %dma_start3A_499 = arith.constant 112 : i32
      %dma_start3A_500 = arith.constant 0 : i32
      %dma_start3A_501 = tpu.memref_slice %arg12[%dma_start3A_499, %dma_start3A_500] : memref<128x64xf32, #tpu.memory_space<vmem>> -> memref<8x64xf32, #tpu.memory_space<vmem>>
      %dma_start3A_502 = arith.constant 0 : i32
      %dma_start3A_503 = tpu.memref_slice %arg6[%add3A_498, %dma_start3A_502] : memref<196608x64xf32, #tpu.memory_space<hbm>> -> memref<8x64xf32, #tpu.memory_space<hbm>>
      %dma_start3A_504 = arith.constant 0 : i32
      %dma_start3A_505 = tpu.memref_slice %arg6[%add3A_498, %dma_start3A_504] : memref<196608x64xf32, #tpu.memory_space<hbm>> -> memref<8x64xf32, #tpu.memory_space<hbm>>
      %dma_start3A_506 = arith.constant 112 : i32
      %dma_start3A_507 = arith.constant 0 : i32
      %dma_start3A_508 = tpu.memref_slice %arg12[%dma_start3A_506, %dma_start3A_507] : memref<128x64xf32, #tpu.memory_space<vmem>> -> memref<8x64xf32, #tpu.memory_space<vmem>>
      tpu.enqueue_dma source(%dma_start3A_508 : memref<8x64xf32, #tpu.memory_space<vmem>>) target(%dma_start3A_505 : memref<8x64xf32, #tpu.memory_space<hbm>>) target_semaphore(%arg15 : memref<!tpu.dma_semaphore, #tpu.memory_space<semaphore_mem>>)
      %add3A_509 = arith.constant 15 : i32
      %add3A_510 = arith.addi %add3A_14, %add3A_509 : i32
      %mul3A_511 = arith.constant 39 : i32
      %mul3A_512 = arith.muli %add3A_510, %mul3A_511 : i32
      %add3A_513 = arith.constant 13 : i32
      %add3A_514 = arith.addi %mul3A_512, %add3A_513 : i32
      %dma_start3A_515 = arith.constant 390 : i32
      %dma_start3A_516 = arith.constant 0 : i32
      %dma_start3A_517 = tpu.memref_slice %arg11[%dma_start3A_515, %dma_start3A_516] : memref<416x64xf32, #tpu.memory_space<vmem>> -> memref<26x64xf32, #tpu.memory_space<vmem>>
      %dma_start3A_518 = arith.constant 0 : i32
      %dma_start3A_519 = tpu.memref_slice %arg5[%add3A_514, %dma_start3A_518] : memref<638976x64xf32, #tpu.memory_space<hbm>> -> memref<26x64xf32, #tpu.memory_space<hbm>>
      %dma_start3A_520 = arith.constant 0 : i32
      %dma_start3A_521 = tpu.memref_slice %arg5[%add3A_514, %dma_start3A_520] : memref<638976x64xf32, #tpu.memory_space<hbm>> -> memref<26x64xf32, #tpu.memory_space<hbm>>
      %dma_start3A_522 = arith.constant 390 : i32
      %dma_start3A_523 = arith.constant 0 : i32
      %dma_start3A_524 = tpu.memref_slice %arg11[%dma_start3A_522, %dma_start3A_523] : memref<416x64xf32, #tpu.memory_space<vmem>> -> memref<26x64xf32, #tpu.memory_space<vmem>>
      tpu.enqueue_dma source(%dma_start3A_524 : memref<26x64xf32, #tpu.memory_space<vmem>>) target(%dma_start3A_521 : memref<26x64xf32, #tpu.memory_space<hbm>>) target_semaphore(%arg15 : memref<!tpu.dma_semaphore, #tpu.memory_space<semaphore_mem>>)
      %add3A_525 = arith.constant 15 : i32
      %add3A_526 = arith.addi %add3A_14, %add3A_525 : i32
      %mul3A_527 = arith.constant 12 : i32
      %mul3A_528 = arith.muli %add3A_526, %mul3A_527 : i32
      %add3A_529 = arith.constant 4 : i32
      %add3A_530 = arith.addi %mul3A_528, %add3A_529 : i32
      %dma_start3A_531 = arith.constant 120 : i32
      %dma_start3A_532 = arith.constant 0 : i32
      %dma_start3A_533 = tpu.memref_slice %arg12[%dma_start3A_531, %dma_start3A_532] : memref<128x64xf32, #tpu.memory_space<vmem>> -> memref<8x64xf32, #tpu.memory_space<vmem>>
      %dma_start3A_534 = arith.constant 0 : i32
      %dma_start3A_535 = tpu.memref_slice %arg6[%add3A_530, %dma_start3A_534] : memref<196608x64xf32, #tpu.memory_space<hbm>> -> memref<8x64xf32, #tpu.memory_space<hbm>>
      %dma_start3A_536 = arith.constant 0 : i32
      %dma_start3A_537 = tpu.memref_slice %arg6[%add3A_530, %dma_start3A_536] : memref<196608x64xf32, #tpu.memory_space<hbm>> -> memref<8x64xf32, #tpu.memory_space<hbm>>
      %dma_start3A_538 = arith.constant 120 : i32
      %dma_start3A_539 = arith.constant 0 : i32
      %dma_start3A_540 = tpu.memref_slice %arg12[%dma_start3A_538, %dma_start3A_539] : memref<128x64xf32, #tpu.memory_space<vmem>> -> memref<8x64xf32, #tpu.memory_space<vmem>>
      tpu.enqueue_dma source(%dma_start3A_540 : memref<8x64xf32, #tpu.memory_space<vmem>>) target(%dma_start3A_537 : memref<8x64xf32, #tpu.memory_space<hbm>>) target_semaphore(%arg15 : memref<!tpu.dma_semaphore, #tpu.memory_space<semaphore_mem>>)
      %dma_wait3A_541 = arith.constant 0 : i32
      %dma_wait3A_542 = arith.constant 0 : i32
      %dma_wait3A_543 = tpu.memref_slice %arg5[%dma_wait3A_541, %dma_wait3A_542] : memref<638976x64xf32, #tpu.memory_space<hbm>> -> memref<544x64xf32, #tpu.memory_space<hbm>>
      %dma_wait3A_544 = arith.constant 0 : i32
      %dma_wait3A_545 = arith.constant 0 : i32
      %dma_wait3A_546 = tpu.memref_slice %arg5[%dma_wait3A_544, %dma_wait3A_545] : memref<638976x64xf32, #tpu.memory_space<hbm>> -> memref<544x64xf32, #tpu.memory_space<hbm>>
      tpu.wait_dma2 semaphore(%arg15 : memref<!tpu.dma_semaphore, #tpu.memory_space<semaphore_mem>>) src(%dma_wait3A_546 : memref<544x64xf32, #tpu.memory_space<hbm>>) dst(%dma_wait3A_543 : memref<544x64xf32, #tpu.memory_space<hbm>>)
    }
    %scan3A_6 = arith.constant 32 : i32
    return
  }
}

module attributes {stable_mosaic.version = 14 : i64} {
  func.func @_tc_body(%arg0: i32, %arg1: memref<256x2613xf32, #tpu.memory_space<vmem>>, %arg2: memref<256x404xf32, #tpu.memory_space<vmem>>, %arg3: memref<1x832xf32, #tpu.memory_space<vmem>>, %arg4: memref<1x832xf32, #tpu.memory_space<vmem>>, %arg5: memref<1x256xf32, #tpu.memory_space<vmem>>, %arg6: memref<1x256xf32, #tpu.memory_space<vmem>>, %arg7: memref<256x16x64xf32, #tpu.memory_space<vmem>>, %arg8: memref<256x256xf32, #tpu.memory_space<vmem>>, %arg9: memref<256x26xi32, #tpu.memory_space<vmem>>, %arg10: memref<256x8xi32, #tpu.memory_space<vmem>>) attributes {dimension_semantics = [#tpu.dimension_semantics<arbitrary>], iteration_bounds = array<i64: 64>, scalar_prefetch = 0 : i64, scratch_operands = 0 : i64, tpu.core_type = #tpu.core_type<tc>, window_params = [{transform_indices = @transform_0, window_bounds = array<i64: 256, 2613>}, {transform_indices = @transform_1, window_bounds = array<i64: 256, 404>}, {pipeline_mode = #tpu.pipeline_mode<synchronous>, transform_indices = @transform_2, window_bounds = array<i64: 1, 832>}, {pipeline_mode = #tpu.pipeline_mode<synchronous>, transform_indices = @transform_3, window_bounds = array<i64: 1, 832>}, {pipeline_mode = #tpu.pipeline_mode<synchronous>, transform_indices = @transform_4, window_bounds = array<i64: 1, 256>}, {pipeline_mode = #tpu.pipeline_mode<synchronous>, transform_indices = @transform_5, window_bounds = array<i64: 1, 256>}, {transform_indices = @transform_6, window_bounds = array<i64: 256, 16, 64>}, {transform_indices = @transform_7, window_bounds = array<i64: 256, 256>}, {transform_indices = @transform_8, window_bounds = array<i64: 256, 26>}, {transform_indices = @transform_9, window_bounds = array<i64: 256, 8>}]} {
    %get3A = arith.constant 0 : index
    %get3A_0 = arith.constant 0 : index
    %get3A_1 = vector.load %arg1[%get3A, %get3A_0] : memref<256x2613xf32, #tpu.memory_space<vmem>>, vector<256x2613xf32>
    %get3A_2 = arith.constant 0 : index
    %get3A_3 = arith.constant 0 : index
    %get3A_4 = vector.load %arg2[%get3A_2, %get3A_3] : memref<256x404xf32, #tpu.memory_space<vmem>>, vector<256x404xf32>
    %slice3A = vector.extract_strided_slice %get3A_1 {offsets = [0, 0], sizes = [256, 1], strides = [1, 1]} : vector<256x2613xf32> to vector<256x1xf32>
    %get3A_5 = arith.constant 0 : index
    %get3A_6 = arith.constant 0 : index
    %get3A_7 = vector.load %arg3[%get3A_5, %get3A_6] : memref<1x832xf32, #tpu.memory_space<vmem>>, vector<1x64xf32>
    %mul3A = vector.broadcast %slice3A : vector<256x1xf32> to vector<256x64xf32>
    %mul3A_8 = vector.broadcast %get3A_7 : vector<1x64xf32> to vector<256x64xf32>
    %mul3A_9 = arith.mulf %mul3A, %mul3A_8 : vector<256x64xf32>
    %get3A_10 = arith.constant 0 : index
    %get3A_11 = arith.constant 0 : index
    %get3A_12 = vector.load %arg4[%get3A_10, %get3A_11] : memref<1x832xf32, #tpu.memory_space<vmem>>, vector<1x64xf32>
    %add3A = vector.broadcast %get3A_12 : vector<1x64xf32> to vector<256x64xf32>
    %add3A_13 = arith.addf %mul3A_9, %add3A : vector<256x64xf32>
    %swap3A = arith.constant 0 : index
    %swap3A_14 = arith.constant 0 : index
    %swap3A_15 = arith.constant 0 : index
    %swap3A_16 = vector.load %arg7[%swap3A, %swap3A_14, %swap3A_15] : memref<256x16x64xf32, #tpu.memory_space<vmem>>, vector<256x1x64xf32>
    %swap3A_17 = vector.shape_cast %swap3A_16 : vector<256x1x64xf32> to vector<256x64xf32>
    %swap3A_18 = vector.shape_cast %add3A_13 : vector<256x64xf32> to vector<256x1x64xf32>
    tpu.vector_store %arg7[%swap3A, %swap3A_14, %swap3A_15], %swap3A_18 {strides = array<i32>} : memref<256x16x64xf32, #tpu.memory_space<vmem>>, vector<256x1x64xf32>,
    %slice3A_19 = vector.extract_strided_slice %get3A_1 {offsets = [0, 1], sizes = [256, 1], strides = [1, 1]} : vector<256x2613xf32> to vector<256x1xf32>
    %get3A_20 = arith.constant 0 : index
    %get3A_21 = arith.constant 64 : index
    %get3A_22 = vector.load %arg3[%get3A_20, %get3A_21] : memref<1x832xf32, #tpu.memory_space<vmem>>, vector<1x64xf32>
    %mul3A_23 = vector.broadcast %slice3A_19 : vector<256x1xf32> to vector<256x64xf32>
    %mul3A_24 = vector.broadcast %get3A_22 : vector<1x64xf32> to vector<256x64xf32>
    %mul3A_25 = arith.mulf %mul3A_23, %mul3A_24 : vector<256x64xf32>
    %get3A_26 = arith.constant 0 : index
    %get3A_27 = arith.constant 64 : index
    %get3A_28 = vector.load %arg4[%get3A_26, %get3A_27] : memref<1x832xf32, #tpu.memory_space<vmem>>, vector<1x64xf32>
    %add3A_29 = vector.broadcast %get3A_28 : vector<1x64xf32> to vector<256x64xf32>
    %add3A_30 = arith.addf %mul3A_25, %add3A_29 : vector<256x64xf32>
    %swap3A_31 = arith.constant 0 : index
    %swap3A_32 = arith.constant 1 : index
    %swap3A_33 = arith.constant 0 : index
    %swap3A_34 = vector.load %arg7[%swap3A_31, %swap3A_32, %swap3A_33] : memref<256x16x64xf32, #tpu.memory_space<vmem>>, vector<256x1x64xf32>
    %swap3A_35 = vector.shape_cast %swap3A_34 : vector<256x1x64xf32> to vector<256x64xf32>
    %swap3A_36 = vector.shape_cast %add3A_30 : vector<256x64xf32> to vector<256x1x64xf32>
    tpu.vector_store %arg7[%swap3A_31, %swap3A_32, %swap3A_33], %swap3A_36 {strides = array<i32>} : memref<256x16x64xf32, #tpu.memory_space<vmem>>, vector<256x1x64xf32>,
    %slice3A_37 = vector.extract_strided_slice %get3A_1 {offsets = [0, 2], sizes = [256, 1], strides = [1, 1]} : vector<256x2613xf32> to vector<256x1xf32>
    %get3A_38 = arith.constant 0 : index
    %get3A_39 = arith.constant 128 : index
    %get3A_40 = vector.load %arg3[%get3A_38, %get3A_39] : memref<1x832xf32, #tpu.memory_space<vmem>>, vector<1x64xf32>
    %mul3A_41 = vector.broadcast %slice3A_37 : vector<256x1xf32> to vector<256x64xf32>
    %mul3A_42 = vector.broadcast %get3A_40 : vector<1x64xf32> to vector<256x64xf32>
    %mul3A_43 = arith.mulf %mul3A_41, %mul3A_42 : vector<256x64xf32>
    %get3A_44 = arith.constant 0 : index
    %get3A_45 = arith.constant 128 : index
    %get3A_46 = vector.load %arg4[%get3A_44, %get3A_45] : memref<1x832xf32, #tpu.memory_space<vmem>>, vector<1x64xf32>
    %add3A_47 = vector.broadcast %get3A_46 : vector<1x64xf32> to vector<256x64xf32>
    %add3A_48 = arith.addf %mul3A_43, %add3A_47 : vector<256x64xf32>
    %swap3A_49 = arith.constant 0 : index
    %swap3A_50 = arith.constant 2 : index
    %swap3A_51 = arith.constant 0 : index
    %swap3A_52 = vector.load %arg7[%swap3A_49, %swap3A_50, %swap3A_51] : memref<256x16x64xf32, #tpu.memory_space<vmem>>, vector<256x1x64xf32>
    %swap3A_53 = vector.shape_cast %swap3A_52 : vector<256x1x64xf32> to vector<256x64xf32>
    %swap3A_54 = vector.shape_cast %add3A_48 : vector<256x64xf32> to vector<256x1x64xf32>
    tpu.vector_store %arg7[%swap3A_49, %swap3A_50, %swap3A_51], %swap3A_54 {strides = array<i32>} : memref<256x16x64xf32, #tpu.memory_space<vmem>>, vector<256x1x64xf32>,
    %slice3A_55 = vector.extract_strided_slice %get3A_1 {offsets = [0, 3], sizes = [256, 1], strides = [1, 1]} : vector<256x2613xf32> to vector<256x1xf32>
    %get3A_56 = arith.constant 0 : index
    %get3A_57 = arith.constant 192 : index
    %get3A_58 = vector.load %arg3[%get3A_56, %get3A_57] : memref<1x832xf32, #tpu.memory_space<vmem>>, vector<1x64xf32>
    %mul3A_59 = vector.broadcast %slice3A_55 : vector<256x1xf32> to vector<256x64xf32>
    %mul3A_60 = vector.broadcast %get3A_58 : vector<1x64xf32> to vector<256x64xf32>
    %mul3A_61 = arith.mulf %mul3A_59, %mul3A_60 : vector<256x64xf32>
    %get3A_62 = arith.constant 0 : index
    %get3A_63 = arith.constant 192 : index
    %get3A_64 = vector.load %arg4[%get3A_62, %get3A_63] : memref<1x832xf32, #tpu.memory_space<vmem>>, vector<1x64xf32>
    %add3A_65 = vector.broadcast %get3A_64 : vector<1x64xf32> to vector<256x64xf32>
    %add3A_66 = arith.addf %mul3A_61, %add3A_65 : vector<256x64xf32>
    %swap3A_67 = arith.constant 0 : index
    %swap3A_68 = arith.constant 3 : index
    %swap3A_69 = arith.constant 0 : index
    %swap3A_70 = vector.load %arg7[%swap3A_67, %swap3A_68, %swap3A_69] : memref<256x16x64xf32, #tpu.memory_space<vmem>>, vector<256x1x64xf32>
    %swap3A_71 = vector.shape_cast %swap3A_70 : vector<256x1x64xf32> to vector<256x64xf32>
    %swap3A_72 = vector.shape_cast %add3A_66 : vector<256x64xf32> to vector<256x1x64xf32>
    tpu.vector_store %arg7[%swap3A_67, %swap3A_68, %swap3A_69], %swap3A_72 {strides = array<i32>} : memref<256x16x64xf32, #tpu.memory_space<vmem>>, vector<256x1x64xf32>,
    %slice3A_73 = vector.extract_strided_slice %get3A_1 {offsets = [0, 4], sizes = [256, 1], strides = [1, 1]} : vector<256x2613xf32> to vector<256x1xf32>
    %get3A_74 = arith.constant 0 : index
    %get3A_75 = arith.constant 256 : index
    %get3A_76 = vector.load %arg3[%get3A_74, %get3A_75] : memref<1x832xf32, #tpu.memory_space<vmem>>, vector<1x64xf32>
    %mul3A_77 = vector.broadcast %slice3A_73 : vector<256x1xf32> to vector<256x64xf32>
    %mul3A_78 = vector.broadcast %get3A_76 : vector<1x64xf32> to vector<256x64xf32>
    %mul3A_79 = arith.mulf %mul3A_77, %mul3A_78 : vector<256x64xf32>
    %get3A_80 = arith.constant 0 : index
    %get3A_81 = arith.constant 256 : index
    %get3A_82 = vector.load %arg4[%get3A_80, %get3A_81] : memref<1x832xf32, #tpu.memory_space<vmem>>, vector<1x64xf32>
    %add3A_83 = vector.broadcast %get3A_82 : vector<1x64xf32> to vector<256x64xf32>
    %add3A_84 = arith.addf %mul3A_79, %add3A_83 : vector<256x64xf32>
    %swap3A_85 = arith.constant 0 : index
    %swap3A_86 = arith.constant 4 : index
    %swap3A_87 = arith.constant 0 : index
    %swap3A_88 = vector.load %arg7[%swap3A_85, %swap3A_86, %swap3A_87] : memref<256x16x64xf32, #tpu.memory_space<vmem>>, vector<256x1x64xf32>
    %swap3A_89 = vector.shape_cast %swap3A_88 : vector<256x1x64xf32> to vector<256x64xf32>
    %swap3A_90 = vector.shape_cast %add3A_84 : vector<256x64xf32> to vector<256x1x64xf32>
    tpu.vector_store %arg7[%swap3A_85, %swap3A_86, %swap3A_87], %swap3A_90 {strides = array<i32>} : memref<256x16x64xf32, #tpu.memory_space<vmem>>, vector<256x1x64xf32>,
    %slice3A_91 = vector.extract_strided_slice %get3A_1 {offsets = [0, 5], sizes = [256, 1], strides = [1, 1]} : vector<256x2613xf32> to vector<256x1xf32>
    %get3A_92 = arith.constant 0 : index
    %get3A_93 = arith.constant 320 : index
    %get3A_94 = vector.load %arg3[%get3A_92, %get3A_93] : memref<1x832xf32, #tpu.memory_space<vmem>>, vector<1x64xf32>
    %mul3A_95 = vector.broadcast %slice3A_91 : vector<256x1xf32> to vector<256x64xf32>
    %mul3A_96 = vector.broadcast %get3A_94 : vector<1x64xf32> to vector<256x64xf32>
    %mul3A_97 = arith.mulf %mul3A_95, %mul3A_96 : vector<256x64xf32>
    %get3A_98 = arith.constant 0 : index
    %get3A_99 = arith.constant 320 : index
    %get3A_100 = vector.load %arg4[%get3A_98, %get3A_99] : memref<1x832xf32, #tpu.memory_space<vmem>>, vector<1x64xf32>
    %add3A_101 = vector.broadcast %get3A_100 : vector<1x64xf32> to vector<256x64xf32>
    %add3A_102 = arith.addf %mul3A_97, %add3A_101 : vector<256x64xf32>
    %swap3A_103 = arith.constant 0 : index
    %swap3A_104 = arith.constant 5 : index
    %swap3A_105 = arith.constant 0 : index
    %swap3A_106 = vector.load %arg7[%swap3A_103, %swap3A_104, %swap3A_105] : memref<256x16x64xf32, #tpu.memory_space<vmem>>, vector<256x1x64xf32>
    %swap3A_107 = vector.shape_cast %swap3A_106 : vector<256x1x64xf32> to vector<256x64xf32>
    %swap3A_108 = vector.shape_cast %add3A_102 : vector<256x64xf32> to vector<256x1x64xf32>
    tpu.vector_store %arg7[%swap3A_103, %swap3A_104, %swap3A_105], %swap3A_108 {strides = array<i32>} : memref<256x16x64xf32, #tpu.memory_space<vmem>>, vector<256x1x64xf32>,
    %slice3A_109 = vector.extract_strided_slice %get3A_1 {offsets = [0, 6], sizes = [256, 1], strides = [1, 1]} : vector<256x2613xf32> to vector<256x1xf32>
    %get3A_110 = arith.constant 0 : index
    %get3A_111 = arith.constant 384 : index
    %get3A_112 = vector.load %arg3[%get3A_110, %get3A_111] : memref<1x832xf32, #tpu.memory_space<vmem>>, vector<1x64xf32>
    %mul3A_113 = vector.broadcast %slice3A_109 : vector<256x1xf32> to vector<256x64xf32>
    %mul3A_114 = vector.broadcast %get3A_112 : vector<1x64xf32> to vector<256x64xf32>
    %mul3A_115 = arith.mulf %mul3A_113, %mul3A_114 : vector<256x64xf32>
    %get3A_116 = arith.constant 0 : index
    %get3A_117 = arith.constant 384 : index
    %get3A_118 = vector.load %arg4[%get3A_116, %get3A_117] : memref<1x832xf32, #tpu.memory_space<vmem>>, vector<1x64xf32>
    %add3A_119 = vector.broadcast %get3A_118 : vector<1x64xf32> to vector<256x64xf32>
    %add3A_120 = arith.addf %mul3A_115, %add3A_119 : vector<256x64xf32>
    %swap3A_121 = arith.constant 0 : index
    %swap3A_122 = arith.constant 6 : index
    %swap3A_123 = arith.constant 0 : index
    %swap3A_124 = vector.load %arg7[%swap3A_121, %swap3A_122, %swap3A_123] : memref<256x16x64xf32, #tpu.memory_space<vmem>>, vector<256x1x64xf32>
    %swap3A_125 = vector.shape_cast %swap3A_124 : vector<256x1x64xf32> to vector<256x64xf32>
    %swap3A_126 = vector.shape_cast %add3A_120 : vector<256x64xf32> to vector<256x1x64xf32>
    tpu.vector_store %arg7[%swap3A_121, %swap3A_122, %swap3A_123], %swap3A_126 {strides = array<i32>} : memref<256x16x64xf32, #tpu.memory_space<vmem>>, vector<256x1x64xf32>,
    %slice3A_127 = vector.extract_strided_slice %get3A_1 {offsets = [0, 7], sizes = [256, 1], strides = [1, 1]} : vector<256x2613xf32> to vector<256x1xf32>
    %get3A_128 = arith.constant 0 : index
    %get3A_129 = arith.constant 448 : index
    %get3A_130 = vector.load %arg3[%get3A_128, %get3A_129] : memref<1x832xf32, #tpu.memory_space<vmem>>, vector<1x64xf32>
    %mul3A_131 = vector.broadcast %slice3A_127 : vector<256x1xf32> to vector<256x64xf32>
    %mul3A_132 = vector.broadcast %get3A_130 : vector<1x64xf32> to vector<256x64xf32>
    %mul3A_133 = arith.mulf %mul3A_131, %mul3A_132 : vector<256x64xf32>
    %get3A_134 = arith.constant 0 : index
    %get3A_135 = arith.constant 448 : index
    %get3A_136 = vector.load %arg4[%get3A_134, %get3A_135] : memref<1x832xf32, #tpu.memory_space<vmem>>, vector<1x64xf32>
    %add3A_137 = vector.broadcast %get3A_136 : vector<1x64xf32> to vector<256x64xf32>
    %add3A_138 = arith.addf %mul3A_133, %add3A_137 : vector<256x64xf32>
    %swap3A_139 = arith.constant 0 : index
    %swap3A_140 = arith.constant 7 : index
    %swap3A_141 = arith.constant 0 : index
    %swap3A_142 = vector.load %arg7[%swap3A_139, %swap3A_140, %swap3A_141] : memref<256x16x64xf32, #tpu.memory_space<vmem>>, vector<256x1x64xf32>
    %swap3A_143 = vector.shape_cast %swap3A_142 : vector<256x1x64xf32> to vector<256x64xf32>
    %swap3A_144 = vector.shape_cast %add3A_138 : vector<256x64xf32> to vector<256x1x64xf32>
    tpu.vector_store %arg7[%swap3A_139, %swap3A_140, %swap3A_141], %swap3A_144 {strides = array<i32>} : memref<256x16x64xf32, #tpu.memory_space<vmem>>, vector<256x1x64xf32>,
    %slice3A_145 = vector.extract_strided_slice %get3A_1 {offsets = [0, 8], sizes = [256, 1], strides = [1, 1]} : vector<256x2613xf32> to vector<256x1xf32>
    %get3A_146 = arith.constant 0 : index
    %get3A_147 = arith.constant 512 : index
    %get3A_148 = vector.load %arg3[%get3A_146, %get3A_147] : memref<1x832xf32, #tpu.memory_space<vmem>>, vector<1x64xf32>
    %mul3A_149 = vector.broadcast %slice3A_145 : vector<256x1xf32> to vector<256x64xf32>
    %mul3A_150 = vector.broadcast %get3A_148 : vector<1x64xf32> to vector<256x64xf32>
    %mul3A_151 = arith.mulf %mul3A_149, %mul3A_150 : vector<256x64xf32>
    %get3A_152 = arith.constant 0 : index
    %get3A_153 = arith.constant 512 : index
    %get3A_154 = vector.load %arg4[%get3A_152, %get3A_153] : memref<1x832xf32, #tpu.memory_space<vmem>>, vector<1x64xf32>
    %add3A_155 = vector.broadcast %get3A_154 : vector<1x64xf32> to vector<256x64xf32>
    %add3A_156 = arith.addf %mul3A_151, %add3A_155 : vector<256x64xf32>
    %swap3A_157 = arith.constant 0 : index
    %swap3A_158 = arith.constant 8 : index
    %swap3A_159 = arith.constant 0 : index
    %swap3A_160 = vector.load %arg7[%swap3A_157, %swap3A_158, %swap3A_159] : memref<256x16x64xf32, #tpu.memory_space<vmem>>, vector<256x1x64xf32>
    %swap3A_161 = vector.shape_cast %swap3A_160 : vector<256x1x64xf32> to vector<256x64xf32>
    %swap3A_162 = vector.shape_cast %add3A_156 : vector<256x64xf32> to vector<256x1x64xf32>
    tpu.vector_store %arg7[%swap3A_157, %swap3A_158, %swap3A_159], %swap3A_162 {strides = array<i32>} : memref<256x16x64xf32, #tpu.memory_space<vmem>>, vector<256x1x64xf32>,
    %slice3A_163 = vector.extract_strided_slice %get3A_1 {offsets = [0, 9], sizes = [256, 1], strides = [1, 1]} : vector<256x2613xf32> to vector<256x1xf32>
    %get3A_164 = arith.constant 0 : index
    %get3A_165 = arith.constant 576 : index
    %get3A_166 = vector.load %arg3[%get3A_164, %get3A_165] : memref<1x832xf32, #tpu.memory_space<vmem>>, vector<1x64xf32>
    %mul3A_167 = vector.broadcast %slice3A_163 : vector<256x1xf32> to vector<256x64xf32>
    %mul3A_168 = vector.broadcast %get3A_166 : vector<1x64xf32> to vector<256x64xf32>
    %mul3A_169 = arith.mulf %mul3A_167, %mul3A_168 : vector<256x64xf32>
    %get3A_170 = arith.constant 0 : index
    %get3A_171 = arith.constant 576 : index
    %get3A_172 = vector.load %arg4[%get3A_170, %get3A_171] : memref<1x832xf32, #tpu.memory_space<vmem>>, vector<1x64xf32>
    %add3A_173 = vector.broadcast %get3A_172 : vector<1x64xf32> to vector<256x64xf32>
    %add3A_174 = arith.addf %mul3A_169, %add3A_173 : vector<256x64xf32>
    %swap3A_175 = arith.constant 0 : index
    %swap3A_176 = arith.constant 9 : index
    %swap3A_177 = arith.constant 0 : index
    %swap3A_178 = vector.load %arg7[%swap3A_175, %swap3A_176, %swap3A_177] : memref<256x16x64xf32, #tpu.memory_space<vmem>>, vector<256x1x64xf32>
    %swap3A_179 = vector.shape_cast %swap3A_178 : vector<256x1x64xf32> to vector<256x64xf32>
    %swap3A_180 = vector.shape_cast %add3A_174 : vector<256x64xf32> to vector<256x1x64xf32>
    tpu.vector_store %arg7[%swap3A_175, %swap3A_176, %swap3A_177], %swap3A_180 {strides = array<i32>} : memref<256x16x64xf32, #tpu.memory_space<vmem>>, vector<256x1x64xf32>,
    %slice3A_181 = vector.extract_strided_slice %get3A_1 {offsets = [0, 10], sizes = [256, 1], strides = [1, 1]} : vector<256x2613xf32> to vector<256x1xf32>
    %get3A_182 = arith.constant 0 : index
    %get3A_183 = arith.constant 640 : index
    %get3A_184 = vector.load %arg3[%get3A_182, %get3A_183] : memref<1x832xf32, #tpu.memory_space<vmem>>, vector<1x64xf32>
    %mul3A_185 = vector.broadcast %slice3A_181 : vector<256x1xf32> to vector<256x64xf32>
    %mul3A_186 = vector.broadcast %get3A_184 : vector<1x64xf32> to vector<256x64xf32>
    %mul3A_187 = arith.mulf %mul3A_185, %mul3A_186 : vector<256x64xf32>
    %get3A_188 = arith.constant 0 : index
    %get3A_189 = arith.constant 640 : index
    %get3A_190 = vector.load %arg4[%get3A_188, %get3A_189] : memref<1x832xf32, #tpu.memory_space<vmem>>, vector<1x64xf32>
    %add3A_191 = vector.broadcast %get3A_190 : vector<1x64xf32> to vector<256x64xf32>
    %add3A_192 = arith.addf %mul3A_187, %add3A_191 : vector<256x64xf32>
    %swap3A_193 = arith.constant 0 : index
    %swap3A_194 = arith.constant 10 : index
    %swap3A_195 = arith.constant 0 : index
    %swap3A_196 = vector.load %arg7[%swap3A_193, %swap3A_194, %swap3A_195] : memref<256x16x64xf32, #tpu.memory_space<vmem>>, vector<256x1x64xf32>
    %swap3A_197 = vector.shape_cast %swap3A_196 : vector<256x1x64xf32> to vector<256x64xf32>
    %swap3A_198 = vector.shape_cast %add3A_192 : vector<256x64xf32> to vector<256x1x64xf32>
    tpu.vector_store %arg7[%swap3A_193, %swap3A_194, %swap3A_195], %swap3A_198 {strides = array<i32>} : memref<256x16x64xf32, #tpu.memory_space<vmem>>, vector<256x1x64xf32>,
    %slice3A_199 = vector.extract_strided_slice %get3A_1 {offsets = [0, 11], sizes = [256, 1], strides = [1, 1]} : vector<256x2613xf32> to vector<256x1xf32>
    %get3A_200 = arith.constant 0 : index
    %get3A_201 = arith.constant 704 : index
    %get3A_202 = vector.load %arg3[%get3A_200, %get3A_201] : memref<1x832xf32, #tpu.memory_space<vmem>>, vector<1x64xf32>
    %mul3A_203 = vector.broadcast %slice3A_199 : vector<256x1xf32> to vector<256x64xf32>
    %mul3A_204 = vector.broadcast %get3A_202 : vector<1x64xf32> to vector<256x64xf32>
    %mul3A_205 = arith.mulf %mul3A_203, %mul3A_204 : vector<256x64xf32>
    %get3A_206 = arith.constant 0 : index
    %get3A_207 = arith.constant 704 : index
    %get3A_208 = vector.load %arg4[%get3A_206, %get3A_207] : memref<1x832xf32, #tpu.memory_space<vmem>>, vector<1x64xf32>
    %add3A_209 = vector.broadcast %get3A_208 : vector<1x64xf32> to vector<256x64xf32>
    %add3A_210 = arith.addf %mul3A_205, %add3A_209 : vector<256x64xf32>
    %swap3A_211 = arith.constant 0 : index
    %swap3A_212 = arith.constant 11 : index
    %swap3A_213 = arith.constant 0 : index
    %swap3A_214 = vector.load %arg7[%swap3A_211, %swap3A_212, %swap3A_213] : memref<256x16x64xf32, #tpu.memory_space<vmem>>, vector<256x1x64xf32>
    %swap3A_215 = vector.shape_cast %swap3A_214 : vector<256x1x64xf32> to vector<256x64xf32>
    %swap3A_216 = vector.shape_cast %add3A_210 : vector<256x64xf32> to vector<256x1x64xf32>
    tpu.vector_store %arg7[%swap3A_211, %swap3A_212, %swap3A_213], %swap3A_216 {strides = array<i32>} : memref<256x16x64xf32, #tpu.memory_space<vmem>>, vector<256x1x64xf32>,
    %slice3A_217 = vector.extract_strided_slice %get3A_1 {offsets = [0, 12], sizes = [256, 1], strides = [1, 1]} : vector<256x2613xf32> to vector<256x1xf32>
    %get3A_218 = arith.constant 0 : index
    %get3A_219 = arith.constant 768 : index
    %get3A_220 = vector.load %arg3[%get3A_218, %get3A_219] : memref<1x832xf32, #tpu.memory_space<vmem>>, vector<1x64xf32>
    %mul3A_221 = vector.broadcast %slice3A_217 : vector<256x1xf32> to vector<256x64xf32>
    %mul3A_222 = vector.broadcast %get3A_220 : vector<1x64xf32> to vector<256x64xf32>
    %mul3A_223 = arith.mulf %mul3A_221, %mul3A_222 : vector<256x64xf32>
    %get3A_224 = arith.constant 0 : index
    %get3A_225 = arith.constant 768 : index
    %get3A_226 = vector.load %arg4[%get3A_224, %get3A_225] : memref<1x832xf32, #tpu.memory_space<vmem>>, vector<1x64xf32>
    %add3A_227 = vector.broadcast %get3A_226 : vector<1x64xf32> to vector<256x64xf32>
    %add3A_228 = arith.addf %mul3A_223, %add3A_227 : vector<256x64xf32>
    %swap3A_229 = arith.constant 0 : index
    %swap3A_230 = arith.constant 12 : index
    %swap3A_231 = arith.constant 0 : index
    %swap3A_232 = vector.load %arg7[%swap3A_229, %swap3A_230, %swap3A_231] : memref<256x16x64xf32, #tpu.memory_space<vmem>>, vector<256x1x64xf32>
    %swap3A_233 = vector.shape_cast %swap3A_232 : vector<256x1x64xf32> to vector<256x64xf32>
    %swap3A_234 = vector.shape_cast %add3A_228 : vector<256x64xf32> to vector<256x1x64xf32>
    tpu.vector_store %arg7[%swap3A_229, %swap3A_230, %swap3A_231], %swap3A_234 {strides = array<i32>} : memref<256x16x64xf32, #tpu.memory_space<vmem>>, vector<256x1x64xf32>,
    %slice3A_235 = vector.extract_strided_slice %get3A_4 {offsets = [0, 0], sizes = [256, 1], strides = [1, 1]} : vector<256x404xf32> to vector<256x1xf32>
    %get3A_236 = arith.constant 0 : index
    %get3A_237 = arith.constant 0 : index
    %get3A_238 = vector.load %arg5[%get3A_236, %get3A_237] : memref<1x256xf32, #tpu.memory_space<vmem>>, vector<1x64xf32>
    %mul3A_239 = vector.broadcast %slice3A_235 : vector<256x1xf32> to vector<256x64xf32>
    %mul3A_240 = vector.broadcast %get3A_238 : vector<1x64xf32> to vector<256x64xf32>
    %mul3A_241 = arith.mulf %mul3A_239, %mul3A_240 : vector<256x64xf32>
    %get3A_242 = arith.constant 0 : index
    %get3A_243 = arith.constant 0 : index
    %get3A_244 = vector.load %arg6[%get3A_242, %get3A_243] : memref<1x256xf32, #tpu.memory_space<vmem>>, vector<1x64xf32>
    %add3A_245 = vector.broadcast %get3A_244 : vector<1x64xf32> to vector<256x64xf32>
    %add3A_246 = arith.addf %mul3A_241, %add3A_245 : vector<256x64xf32>
    %swap3A_247 = arith.constant 0 : index
    %swap3A_248 = arith.constant 0 : index
    %swap3A_249 = vector.load %arg8[%swap3A_247, %swap3A_248] : memref<256x256xf32, #tpu.memory_space<vmem>>, vector<256x64xf32>
    tpu.vector_store %arg8[%swap3A_247, %swap3A_248], %add3A_246 {strides = array<i32>} : memref<256x256xf32, #tpu.memory_space<vmem>>, vector<256x64xf32>,
    %slice3A_250 = vector.extract_strided_slice %get3A_4 {offsets = [0, 1], sizes = [256, 1], strides = [1, 1]} : vector<256x404xf32> to vector<256x1xf32>
    %get3A_251 = arith.constant 0 : index
    %get3A_252 = arith.constant 64 : index
    %get3A_253 = vector.load %arg5[%get3A_251, %get3A_252] : memref<1x256xf32, #tpu.memory_space<vmem>>, vector<1x64xf32>
    %mul3A_254 = vector.broadcast %slice3A_250 : vector<256x1xf32> to vector<256x64xf32>
    %mul3A_255 = vector.broadcast %get3A_253 : vector<1x64xf32> to vector<256x64xf32>
    %mul3A_256 = arith.mulf %mul3A_254, %mul3A_255 : vector<256x64xf32>
    %get3A_257 = arith.constant 0 : index
    %get3A_258 = arith.constant 64 : index
    %get3A_259 = vector.load %arg6[%get3A_257, %get3A_258] : memref<1x256xf32, #tpu.memory_space<vmem>>, vector<1x64xf32>
    %add3A_260 = vector.broadcast %get3A_259 : vector<1x64xf32> to vector<256x64xf32>
    %add3A_261 = arith.addf %mul3A_256, %add3A_260 : vector<256x64xf32>
    %swap3A_262 = arith.constant 0 : index
    %swap3A_263 = arith.constant 64 : index
    %swap3A_264 = vector.load %arg8[%swap3A_262, %swap3A_263] : memref<256x256xf32, #tpu.memory_space<vmem>>, vector<256x64xf32>
    tpu.vector_store %arg8[%swap3A_262, %swap3A_263], %add3A_261 {strides = array<i32>} : memref<256x256xf32, #tpu.memory_space<vmem>>, vector<256x64xf32>,
    %slice3A_265 = vector.extract_strided_slice %get3A_4 {offsets = [0, 2], sizes = [256, 1], strides = [1, 1]} : vector<256x404xf32> to vector<256x1xf32>
    %get3A_266 = arith.constant 0 : index
    %get3A_267 = arith.constant 128 : index
    %get3A_268 = vector.load %arg5[%get3A_266, %get3A_267] : memref<1x256xf32, #tpu.memory_space<vmem>>, vector<1x64xf32>
    %mul3A_269 = vector.broadcast %slice3A_265 : vector<256x1xf32> to vector<256x64xf32>
    %mul3A_270 = vector.broadcast %get3A_268 : vector<1x64xf32> to vector<256x64xf32>
    %mul3A_271 = arith.mulf %mul3A_269, %mul3A_270 : vector<256x64xf32>
    %get3A_272 = arith.constant 0 : index
    %get3A_273 = arith.constant 128 : index
    %get3A_274 = vector.load %arg6[%get3A_272, %get3A_273] : memref<1x256xf32, #tpu.memory_space<vmem>>, vector<1x64xf32>
    %add3A_275 = vector.broadcast %get3A_274 : vector<1x64xf32> to vector<256x64xf32>
    %add3A_276 = arith.addf %mul3A_271, %add3A_275 : vector<256x64xf32>
    %swap3A_277 = arith.constant 0 : index
    %swap3A_278 = arith.constant 128 : index
    %swap3A_279 = vector.load %arg8[%swap3A_277, %swap3A_278] : memref<256x256xf32, #tpu.memory_space<vmem>>, vector<256x64xf32>
    tpu.vector_store %arg8[%swap3A_277, %swap3A_278], %add3A_276 {strides = array<i32>} : memref<256x256xf32, #tpu.memory_space<vmem>>, vector<256x64xf32>,
    %slice3A_280 = vector.extract_strided_slice %get3A_4 {offsets = [0, 3], sizes = [256, 1], strides = [1, 1]} : vector<256x404xf32> to vector<256x1xf32>
    %get3A_281 = arith.constant 0 : index
    %get3A_282 = arith.constant 192 : index
    %get3A_283 = vector.load %arg5[%get3A_281, %get3A_282] : memref<1x256xf32, #tpu.memory_space<vmem>>, vector<1x64xf32>
    %mul3A_284 = vector.broadcast %slice3A_280 : vector<256x1xf32> to vector<256x64xf32>
    %mul3A_285 = vector.broadcast %get3A_283 : vector<1x64xf32> to vector<256x64xf32>
    %mul3A_286 = arith.mulf %mul3A_284, %mul3A_285 : vector<256x64xf32>
    %get3A_287 = arith.constant 0 : index
    %get3A_288 = arith.constant 192 : index
    %get3A_289 = vector.load %arg6[%get3A_287, %get3A_288] : memref<1x256xf32, #tpu.memory_space<vmem>>, vector<1x64xf32>
    %add3A_290 = vector.broadcast %get3A_289 : vector<1x64xf32> to vector<256x64xf32>
    %add3A_291 = arith.addf %mul3A_286, %add3A_290 : vector<256x64xf32>
    %swap3A_292 = arith.constant 0 : index
    %swap3A_293 = arith.constant 192 : index
    %swap3A_294 = vector.load %arg8[%swap3A_292, %swap3A_293] : memref<256x256xf32, #tpu.memory_space<vmem>>, vector<256x64xf32>
    tpu.vector_store %arg8[%swap3A_292, %swap3A_293], %add3A_291 {strides = array<i32>} : memref<256x256xf32, #tpu.memory_space<vmem>>, vector<256x64xf32>,
    %iota3A = tpu.iota {dimensions = array<i32: 1>} : vector<256x100xi32>
    %slice3A_295 = vector.extract_strided_slice %get3A_1 {offsets = [0, 13], sizes = [256, 100], strides = [1, 1]} : vector<256x2613xf32> to vector<256x100xf32>
    %reduce_max3A = arith.constant dense<0xFF800000> : vector<256xf32>
    %reduce_max3A_296 = vector.multi_reduction <maximumf>, %slice3A_295, %reduce_max3A [1] : vector<256x100xf32> to vector<256xf32>
    %broadcast_in_dim3A = vector.shape_cast %reduce_max3A_296 : vector<256xf32> to vector<256x1xf32>
    %eq3A = vector.broadcast %broadcast_in_dim3A : vector<256x1xf32> to vector<256x100xf32>
    %eq3A_297 = arith.cmpf oeq, %slice3A_295, %eq3A : vector<256x100xf32>
    %add3A_298 = arith.constant 0 : i32
    %add3A_299 = vector.broadcast %add3A_298 : i32 to vector<256x100xi32>
    %add3A_300 = arith.addi %iota3A, %add3A_299 : vector<256x100xi32>
    %jit3A = arith.constant 3000 : i32
    %broadcast_in_dim3A_301 = vector.broadcast %jit3A : i32 to vector<256x100xi32>
    %select_n3A = arith.select %eq3A_297, %add3A_300, %broadcast_in_dim3A_301 : vector<256x100xi1>, vector<256x100xi32>
    %reduce_min3A = arith.constant dense<2147483647> : vector<256xi32>
    %reduce_min3A_302 = vector.multi_reduction <minsi>, %select_n3A, %reduce_min3A [1] : vector<256x100xi32> to vector<256xi32>
    %broadcast_in_dim3A_303 = vector.shape_cast %reduce_min3A_302 : vector<256xi32> to vector<256x1xi32>
    %slice3A_304 = vector.extract_strided_slice %get3A_1 {offsets = [0, 113], sizes = [256, 100], strides = [1, 1]} : vector<256x2613xf32> to vector<256x100xf32>
    %reduce_max3A_305 = arith.constant dense<0xFF800000> : vector<256xf32>
    %reduce_max3A_306 = vector.multi_reduction <maximumf>, %slice3A_304, %reduce_max3A_305 [1] : vector<256x100xf32> to vector<256xf32>
    %broadcast_in_dim3A_307 = vector.shape_cast %reduce_max3A_306 : vector<256xf32> to vector<256x1xf32>
    %eq3A_308 = vector.broadcast %broadcast_in_dim3A_307 : vector<256x1xf32> to vector<256x100xf32>
    %eq3A_309 = arith.cmpf oeq, %slice3A_304, %eq3A_308 : vector<256x100xf32>
    %add3A_310 = arith.constant 100 : i32
    %add3A_311 = vector.broadcast %add3A_310 : i32 to vector<256x100xi32>
    %add3A_312 = arith.addi %iota3A, %add3A_311 : vector<256x100xi32>
    %jit3A_313 = arith.constant 3000 : i32
    %broadcast_in_dim3A_314 = vector.broadcast %jit3A_313 : i32 to vector<256x100xi32>
    %select_n3A_315 = arith.select %eq3A_309, %add3A_312, %broadcast_in_dim3A_314 : vector<256x100xi1>, vector<256x100xi32>
    %reduce_min3A_316 = arith.constant dense<2147483647> : vector<256xi32>
    %reduce_min3A_317 = vector.multi_reduction <minsi>, %select_n3A_315, %reduce_min3A_316 [1] : vector<256x100xi32> to vector<256xi32>
    %broadcast_in_dim3A_318 = vector.shape_cast %reduce_min3A_317 : vector<256xi32> to vector<256x1xi32>
    %slice3A_319 = vector.extract_strided_slice %get3A_1 {offsets = [0, 213], sizes = [256, 100], strides = [1, 1]} : vector<256x2613xf32> to vector<256x100xf32>
    %reduce_max3A_320 = arith.constant dense<0xFF800000> : vector<256xf32>
    %reduce_max3A_321 = vector.multi_reduction <maximumf>, %slice3A_319, %reduce_max3A_320 [1] : vector<256x100xf32> to vector<256xf32>
    %broadcast_in_dim3A_322 = vector.shape_cast %reduce_max3A_321 : vector<256xf32> to vector<256x1xf32>
    %eq3A_323 = vector.broadcast %broadcast_in_dim3A_322 : vector<256x1xf32> to vector<256x100xf32>
    %eq3A_324 = arith.cmpf oeq, %slice3A_319, %eq3A_323 : vector<256x100xf32>
    %add3A_325 = arith.constant 200 : i32
    %add3A_326 = vector.broadcast %add3A_325 : i32 to vector<256x100xi32>
    %add3A_327 = arith.addi %iota3A, %add3A_326 : vector<256x100xi32>
    %jit3A_328 = arith.constant 3000 : i32
    %broadcast_in_dim3A_329 = vector.broadcast %jit3A_328 : i32 to vector<256x100xi32>
    %select_n3A_330 = arith.select %eq3A_324, %add3A_327, %broadcast_in_dim3A_329 : vector<256x100xi1>, vector<256x100xi32>
    %reduce_min3A_331 = arith.constant dense<2147483647> : vector<256xi32>
    %reduce_min3A_332 = vector.multi_reduction <minsi>, %select_n3A_330, %reduce_min3A_331 [1] : vector<256x100xi32> to vector<256xi32>
    %broadcast_in_dim3A_333 = vector.shape_cast %reduce_min3A_332 : vector<256xi32> to vector<256x1xi32>
    %slice3A_334 = vector.extract_strided_slice %get3A_1 {offsets = [0, 313], sizes = [256, 100], strides = [1, 1]} : vector<256x2613xf32> to vector<256x100xf32>
    %reduce_max3A_335 = arith.constant dense<0xFF800000> : vector<256xf32>
    %reduce_max3A_336 = vector.multi_reduction <maximumf>, %slice3A_334, %reduce_max3A_335 [1] : vector<256x100xf32> to vector<256xf32>
    %broadcast_in_dim3A_337 = vector.shape_cast %reduce_max3A_336 : vector<256xf32> to vector<256x1xf32>
    %eq3A_338 = vector.broadcast %broadcast_in_dim3A_337 : vector<256x1xf32> to vector<256x100xf32>
    %eq3A_339 = arith.cmpf oeq, %slice3A_334, %eq3A_338 : vector<256x100xf32>
    %add3A_340 = arith.constant 300 : i32
    %add3A_341 = vector.broadcast %add3A_340 : i32 to vector<256x100xi32>
    %add3A_342 = arith.addi %iota3A, %add3A_341 : vector<256x100xi32>
    %jit3A_343 = arith.constant 3000 : i32
    %broadcast_in_dim3A_344 = vector.broadcast %jit3A_343 : i32 to vector<256x100xi32>
    %select_n3A_345 = arith.select %eq3A_339, %add3A_342, %broadcast_in_dim3A_344 : vector<256x100xi1>, vector<256x100xi32>
    %reduce_min3A_346 = arith.constant dense<2147483647> : vector<256xi32>
    %reduce_min3A_347 = vector.multi_reduction <minsi>, %select_n3A_345, %reduce_min3A_346 [1] : vector<256x100xi32> to vector<256xi32>
    %broadcast_in_dim3A_348 = vector.shape_cast %reduce_min3A_347 : vector<256xi32> to vector<256x1xi32>
    %slice3A_349 = vector.extract_strided_slice %get3A_1 {offsets = [0, 413], sizes = [256, 100], strides = [1, 1]} : vector<256x2613xf32> to vector<256x100xf32>
    %reduce_max3A_350 = arith.constant dense<0xFF800000> : vector<256xf32>
    %reduce_max3A_351 = vector.multi_reduction <maximumf>, %slice3A_349, %reduce_max3A_350 [1] : vector<256x100xf32> to vector<256xf32>
    %broadcast_in_dim3A_352 = vector.shape_cast %reduce_max3A_351 : vector<256xf32> to vector<256x1xf32>
    %eq3A_353 = vector.broadcast %broadcast_in_dim3A_352 : vector<256x1xf32> to vector<256x100xf32>
    %eq3A_354 = arith.cmpf oeq, %slice3A_349, %eq3A_353 : vector<256x100xf32>
    %add3A_355 = arith.constant 400 : i32
    %add3A_356 = vector.broadcast %add3A_355 : i32 to vector<256x100xi32>
    %add3A_357 = arith.addi %iota3A, %add3A_356 : vector<256x100xi32>
    %jit3A_358 = arith.constant 3000 : i32
    %broadcast_in_dim3A_359 = vector.broadcast %jit3A_358 : i32 to vector<256x100xi32>
    %select_n3A_360 = arith.select %eq3A_354, %add3A_357, %broadcast_in_dim3A_359 : vector<256x100xi1>, vector<256x100xi32>
    %reduce_min3A_361 = arith.constant dense<2147483647> : vector<256xi32>
    %reduce_min3A_362 = vector.multi_reduction <minsi>, %select_n3A_360, %reduce_min3A_361 [1] : vector<256x100xi32> to vector<256xi32>
    %broadcast_in_dim3A_363 = vector.shape_cast %reduce_min3A_362 : vector<256xi32> to vector<256x1xi32>
    %slice3A_364 = vector.extract_strided_slice %get3A_1 {offsets = [0, 513], sizes = [256, 100], strides = [1, 1]} : vector<256x2613xf32> to vector<256x100xf32>
    %reduce_max3A_365 = arith.constant dense<0xFF800000> : vector<256xf32>
    %reduce_max3A_366 = vector.multi_reduction <maximumf>, %slice3A_364, %reduce_max3A_365 [1] : vector<256x100xf32> to vector<256xf32>
    %broadcast_in_dim3A_367 = vector.shape_cast %reduce_max3A_366 : vector<256xf32> to vector<256x1xf32>
    %eq3A_368 = vector.broadcast %broadcast_in_dim3A_367 : vector<256x1xf32> to vector<256x100xf32>
    %eq3A_369 = arith.cmpf oeq, %slice3A_364, %eq3A_368 : vector<256x100xf32>
    %add3A_370 = arith.constant 500 : i32
    %add3A_371 = vector.broadcast %add3A_370 : i32 to vector<256x100xi32>
    %add3A_372 = arith.addi %iota3A, %add3A_371 : vector<256x100xi32>
    %jit3A_373 = arith.constant 3000 : i32
    %broadcast_in_dim3A_374 = vector.broadcast %jit3A_373 : i32 to vector<256x100xi32>
    %select_n3A_375 = arith.select %eq3A_369, %add3A_372, %broadcast_in_dim3A_374 : vector<256x100xi1>, vector<256x100xi32>
    %reduce_min3A_376 = arith.constant dense<2147483647> : vector<256xi32>
    %reduce_min3A_377 = vector.multi_reduction <minsi>, %select_n3A_375, %reduce_min3A_376 [1] : vector<256x100xi32> to vector<256xi32>
    %broadcast_in_dim3A_378 = vector.shape_cast %reduce_min3A_377 : vector<256xi32> to vector<256x1xi32>
    %slice3A_379 = vector.extract_strided_slice %get3A_1 {offsets = [0, 613], sizes = [256, 100], strides = [1, 1]} : vector<256x2613xf32> to vector<256x100xf32>
    %reduce_max3A_380 = arith.constant dense<0xFF800000> : vector<256xf32>
    %reduce_max3A_381 = vector.multi_reduction <maximumf>, %slice3A_379, %reduce_max3A_380 [1] : vector<256x100xf32> to vector<256xf32>
    %broadcast_in_dim3A_382 = vector.shape_cast %reduce_max3A_381 : vector<256xf32> to vector<256x1xf32>
    %eq3A_383 = vector.broadcast %broadcast_in_dim3A_382 : vector<256x1xf32> to vector<256x100xf32>
    %eq3A_384 = arith.cmpf oeq, %slice3A_379, %eq3A_383 : vector<256x100xf32>
    %add3A_385 = arith.constant 600 : i32
    %add3A_386 = vector.broadcast %add3A_385 : i32 to vector<256x100xi32>
    %add3A_387 = arith.addi %iota3A, %add3A_386 : vector<256x100xi32>
    %jit3A_388 = arith.constant 3000 : i32
    %broadcast_in_dim3A_389 = vector.broadcast %jit3A_388 : i32 to vector<256x100xi32>
    %select_n3A_390 = arith.select %eq3A_384, %add3A_387, %broadcast_in_dim3A_389 : vector<256x100xi1>, vector<256x100xi32>
    %reduce_min3A_391 = arith.constant dense<2147483647> : vector<256xi32>
    %reduce_min3A_392 = vector.multi_reduction <minsi>, %select_n3A_390, %reduce_min3A_391 [1] : vector<256x100xi32> to vector<256xi32>
    %broadcast_in_dim3A_393 = vector.shape_cast %reduce_min3A_392 : vector<256xi32> to vector<256x1xi32>
    %slice3A_394 = vector.extract_strided_slice %get3A_1 {offsets = [0, 713], sizes = [256, 100], strides = [1, 1]} : vector<256x2613xf32> to vector<256x100xf32>
    %reduce_max3A_395 = arith.constant dense<0xFF800000> : vector<256xf32>
    %reduce_max3A_396 = vector.multi_reduction <maximumf>, %slice3A_394, %reduce_max3A_395 [1] : vector<256x100xf32> to vector<256xf32>
    %broadcast_in_dim3A_397 = vector.shape_cast %reduce_max3A_396 : vector<256xf32> to vector<256x1xf32>
    %eq3A_398 = vector.broadcast %broadcast_in_dim3A_397 : vector<256x1xf32> to vector<256x100xf32>
    %eq3A_399 = arith.cmpf oeq, %slice3A_394, %eq3A_398 : vector<256x100xf32>
    %add3A_400 = arith.constant 700 : i32
    %add3A_401 = vector.broadcast %add3A_400 : i32 to vector<256x100xi32>
    %add3A_402 = arith.addi %iota3A, %add3A_401 : vector<256x100xi32>
    %jit3A_403 = arith.constant 3000 : i32
    %broadcast_in_dim3A_404 = vector.broadcast %jit3A_403 : i32 to vector<256x100xi32>
    %select_n3A_405 = arith.select %eq3A_399, %add3A_402, %broadcast_in_dim3A_404 : vector<256x100xi1>, vector<256x100xi32>
    %reduce_min3A_406 = arith.constant dense<2147483647> : vector<256xi32>
    %reduce_min3A_407 = vector.multi_reduction <minsi>, %select_n3A_405, %reduce_min3A_406 [1] : vector<256x100xi32> to vector<256xi32>
    %broadcast_in_dim3A_408 = vector.shape_cast %reduce_min3A_407 : vector<256xi32> to vector<256x1xi32>
    %slice3A_409 = vector.extract_strided_slice %get3A_1 {offsets = [0, 813], sizes = [256, 100], strides = [1, 1]} : vector<256x2613xf32> to vector<256x100xf32>
    %reduce_max3A_410 = arith.constant dense<0xFF800000> : vector<256xf32>
    %reduce_max3A_411 = vector.multi_reduction <maximumf>, %slice3A_409, %reduce_max3A_410 [1] : vector<256x100xf32> to vector<256xf32>
    %broadcast_in_dim3A_412 = vector.shape_cast %reduce_max3A_411 : vector<256xf32> to vector<256x1xf32>
    %eq3A_413 = vector.broadcast %broadcast_in_dim3A_412 : vector<256x1xf32> to vector<256x100xf32>
    %eq3A_414 = arith.cmpf oeq, %slice3A_409, %eq3A_413 : vector<256x100xf32>
    %add3A_415 = arith.constant 800 : i32
    %add3A_416 = vector.broadcast %add3A_415 : i32 to vector<256x100xi32>
    %add3A_417 = arith.addi %iota3A, %add3A_416 : vector<256x100xi32>
    %jit3A_418 = arith.constant 3000 : i32
    %broadcast_in_dim3A_419 = vector.broadcast %jit3A_418 : i32 to vector<256x100xi32>
    %select_n3A_420 = arith.select %eq3A_414, %add3A_417, %broadcast_in_dim3A_419 : vector<256x100xi1>, vector<256x100xi32>
    %reduce_min3A_421 = arith.constant dense<2147483647> : vector<256xi32>
    %reduce_min3A_422 = vector.multi_reduction <minsi>, %select_n3A_420, %reduce_min3A_421 [1] : vector<256x100xi32> to vector<256xi32>
    %broadcast_in_dim3A_423 = vector.shape_cast %reduce_min3A_422 : vector<256xi32> to vector<256x1xi32>
    %slice3A_424 = vector.extract_strided_slice %get3A_1 {offsets = [0, 913], sizes = [256, 100], strides = [1, 1]} : vector<256x2613xf32> to vector<256x100xf32>
    %reduce_max3A_425 = arith.constant dense<0xFF800000> : vector<256xf32>
    %reduce_max3A_426 = vector.multi_reduction <maximumf>, %slice3A_424, %reduce_max3A_425 [1] : vector<256x100xf32> to vector<256xf32>
    %broadcast_in_dim3A_427 = vector.shape_cast %reduce_max3A_426 : vector<256xf32> to vector<256x1xf32>
    %eq3A_428 = vector.broadcast %broadcast_in_dim3A_427 : vector<256x1xf32> to vector<256x100xf32>
    %eq3A_429 = arith.cmpf oeq, %slice3A_424, %eq3A_428 : vector<256x100xf32>
    %add3A_430 = arith.constant 900 : i32
    %add3A_431 = vector.broadcast %add3A_430 : i32 to vector<256x100xi32>
    %add3A_432 = arith.addi %iota3A, %add3A_431 : vector<256x100xi32>
    %jit3A_433 = arith.constant 3000 : i32
    %broadcast_in_dim3A_434 = vector.broadcast %jit3A_433 : i32 to vector<256x100xi32>
    %select_n3A_435 = arith.select %eq3A_429, %add3A_432, %broadcast_in_dim3A_434 : vector<256x100xi1>, vector<256x100xi32>
    %reduce_min3A_436 = arith.constant dense<2147483647> : vector<256xi32>
    %reduce_min3A_437 = vector.multi_reduction <minsi>, %select_n3A_435, %reduce_min3A_436 [1] : vector<256x100xi32> to vector<256xi32>
    %broadcast_in_dim3A_438 = vector.shape_cast %reduce_min3A_437 : vector<256xi32> to vector<256x1xi32>
    %slice3A_439 = vector.extract_strided_slice %get3A_1 {offsets = [0, 1013], sizes = [256, 100], strides = [1, 1]} : vector<256x2613xf32> to vector<256x100xf32>
    %reduce_max3A_440 = arith.constant dense<0xFF800000> : vector<256xf32>
    %reduce_max3A_441 = vector.multi_reduction <maximumf>, %slice3A_439, %reduce_max3A_440 [1] : vector<256x100xf32> to vector<256xf32>
    %broadcast_in_dim3A_442 = vector.shape_cast %reduce_max3A_441 : vector<256xf32> to vector<256x1xf32>
    %eq3A_443 = vector.broadcast %broadcast_in_dim3A_442 : vector<256x1xf32> to vector<256x100xf32>
    %eq3A_444 = arith.cmpf oeq, %slice3A_439, %eq3A_443 : vector<256x100xf32>
    %add3A_445 = arith.constant 1000 : i32
    %add3A_446 = vector.broadcast %add3A_445 : i32 to vector<256x100xi32>
    %add3A_447 = arith.addi %iota3A, %add3A_446 : vector<256x100xi32>
    %jit3A_448 = arith.constant 3000 : i32
    %broadcast_in_dim3A_449 = vector.broadcast %jit3A_448 : i32 to vector<256x100xi32>
    %select_n3A_450 = arith.select %eq3A_444, %add3A_447, %broadcast_in_dim3A_449 : vector<256x100xi1>, vector<256x100xi32>
    %reduce_min3A_451 = arith.constant dense<2147483647> : vector<256xi32>
    %reduce_min3A_452 = vector.multi_reduction <minsi>, %select_n3A_450, %reduce_min3A_451 [1] : vector<256x100xi32> to vector<256xi32>
    %broadcast_in_dim3A_453 = vector.shape_cast %reduce_min3A_452 : vector<256xi32> to vector<256x1xi32>
    %slice3A_454 = vector.extract_strided_slice %get3A_1 {offsets = [0, 1113], sizes = [256, 100], strides = [1, 1]} : vector<256x2613xf32> to vector<256x100xf32>
    %reduce_max3A_455 = arith.constant dense<0xFF800000> : vector<256xf32>
    %reduce_max3A_456 = vector.multi_reduction <maximumf>, %slice3A_454, %reduce_max3A_455 [1] : vector<256x100xf32> to vector<256xf32>
    %broadcast_in_dim3A_457 = vector.shape_cast %reduce_max3A_456 : vector<256xf32> to vector<256x1xf32>
    %eq3A_458 = vector.broadcast %broadcast_in_dim3A_457 : vector<256x1xf32> to vector<256x100xf32>
    %eq3A_459 = arith.cmpf oeq, %slice3A_454, %eq3A_458 : vector<256x100xf32>
    %add3A_460 = arith.constant 1100 : i32
    %add3A_461 = vector.broadcast %add3A_460 : i32 to vector<256x100xi32>
    %add3A_462 = arith.addi %iota3A, %add3A_461 : vector<256x100xi32>
    %jit3A_463 = arith.constant 3000 : i32
    %broadcast_in_dim3A_464 = vector.broadcast %jit3A_463 : i32 to vector<256x100xi32>
    %select_n3A_465 = arith.select %eq3A_459, %add3A_462, %broadcast_in_dim3A_464 : vector<256x100xi1>, vector<256x100xi32>
    %reduce_min3A_466 = arith.constant dense<2147483647> : vector<256xi32>
    %reduce_min3A_467 = vector.multi_reduction <minsi>, %select_n3A_465, %reduce_min3A_466 [1] : vector<256x100xi32> to vector<256xi32>
    %broadcast_in_dim3A_468 = vector.shape_cast %reduce_min3A_467 : vector<256xi32> to vector<256x1xi32>
    %slice3A_469 = vector.extract_strided_slice %get3A_1 {offsets = [0, 1213], sizes = [256, 100], strides = [1, 1]} : vector<256x2613xf32> to vector<256x100xf32>
    %reduce_max3A_470 = arith.constant dense<0xFF800000> : vector<256xf32>
    %reduce_max3A_471 = vector.multi_reduction <maximumf>, %slice3A_469, %reduce_max3A_470 [1] : vector<256x100xf32> to vector<256xf32>
    %broadcast_in_dim3A_472 = vector.shape_cast %reduce_max3A_471 : vector<256xf32> to vector<256x1xf32>
    %eq3A_473 = vector.broadcast %broadcast_in_dim3A_472 : vector<256x1xf32> to vector<256x100xf32>
    %eq3A_474 = arith.cmpf oeq, %slice3A_469, %eq3A_473 : vector<256x100xf32>
    %add3A_475 = arith.constant 1200 : i32
    %add3A_476 = vector.broadcast %add3A_475 : i32 to vector<256x100xi32>
    %add3A_477 = arith.addi %iota3A, %add3A_476 : vector<256x100xi32>
    %jit3A_478 = arith.constant 3000 : i32
    %broadcast_in_dim3A_479 = vector.broadcast %jit3A_478 : i32 to vector<256x100xi32>
    %select_n3A_480 = arith.select %eq3A_474, %add3A_477, %broadcast_in_dim3A_479 : vector<256x100xi1>, vector<256x100xi32>
    %reduce_min3A_481 = arith.constant dense<2147483647> : vector<256xi32>
    %reduce_min3A_482 = vector.multi_reduction <minsi>, %select_n3A_480, %reduce_min3A_481 [1] : vector<256x100xi32> to vector<256xi32>
    %broadcast_in_dim3A_483 = vector.shape_cast %reduce_min3A_482 : vector<256xi32> to vector<256x1xi32>
    %slice3A_484 = vector.extract_strided_slice %get3A_1 {offsets = [0, 1313], sizes = [256, 100], strides = [1, 1]} : vector<256x2613xf32> to vector<256x100xf32>
    %reduce_max3A_485 = arith.constant dense<0xFF800000> : vector<256xf32>
    %reduce_max3A_486 = vector.multi_reduction <maximumf>, %slice3A_484, %reduce_max3A_485 [1] : vector<256x100xf32> to vector<256xf32>
    %broadcast_in_dim3A_487 = vector.shape_cast %reduce_max3A_486 : vector<256xf32> to vector<256x1xf32>
    %eq3A_488 = vector.broadcast %broadcast_in_dim3A_487 : vector<256x1xf32> to vector<256x100xf32>
    %eq3A_489 = arith.cmpf oeq, %slice3A_484, %eq3A_488 : vector<256x100xf32>
    %add3A_490 = arith.constant 1300 : i32
    %add3A_491 = vector.broadcast %add3A_490 : i32 to vector<256x100xi32>
    %add3A_492 = arith.addi %iota3A, %add3A_491 : vector<256x100xi32>
    %jit3A_493 = arith.constant 3000 : i32
    %broadcast_in_dim3A_494 = vector.broadcast %jit3A_493 : i32 to vector<256x100xi32>
    %select_n3A_495 = arith.select %eq3A_489, %add3A_492, %broadcast_in_dim3A_494 : vector<256x100xi1>, vector<256x100xi32>
    %reduce_min3A_496 = arith.constant dense<2147483647> : vector<256xi32>
    %reduce_min3A_497 = vector.multi_reduction <minsi>, %select_n3A_495, %reduce_min3A_496 [1] : vector<256x100xi32> to vector<256xi32>
    %broadcast_in_dim3A_498 = vector.shape_cast %reduce_min3A_497 : vector<256xi32> to vector<256x1xi32>
    %slice3A_499 = vector.extract_strided_slice %get3A_1 {offsets = [0, 1413], sizes = [256, 100], strides = [1, 1]} : vector<256x2613xf32> to vector<256x100xf32>
    %reduce_max3A_500 = arith.constant dense<0xFF800000> : vector<256xf32>
    %reduce_max3A_501 = vector.multi_reduction <maximumf>, %slice3A_499, %reduce_max3A_500 [1] : vector<256x100xf32> to vector<256xf32>
    %broadcast_in_dim3A_502 = vector.shape_cast %reduce_max3A_501 : vector<256xf32> to vector<256x1xf32>
    %eq3A_503 = vector.broadcast %broadcast_in_dim3A_502 : vector<256x1xf32> to vector<256x100xf32>
    %eq3A_504 = arith.cmpf oeq, %slice3A_499, %eq3A_503 : vector<256x100xf32>
    %add3A_505 = arith.constant 1400 : i32
    %add3A_506 = vector.broadcast %add3A_505 : i32 to vector<256x100xi32>
    %add3A_507 = arith.addi %iota3A, %add3A_506 : vector<256x100xi32>
    %jit3A_508 = arith.constant 3000 : i32
    %broadcast_in_dim3A_509 = vector.broadcast %jit3A_508 : i32 to vector<256x100xi32>
    %select_n3A_510 = arith.select %eq3A_504, %add3A_507, %broadcast_in_dim3A_509 : vector<256x100xi1>, vector<256x100xi32>
    %reduce_min3A_511 = arith.constant dense<2147483647> : vector<256xi32>
    %reduce_min3A_512 = vector.multi_reduction <minsi>, %select_n3A_510, %reduce_min3A_511 [1] : vector<256x100xi32> to vector<256xi32>
    %broadcast_in_dim3A_513 = vector.shape_cast %reduce_min3A_512 : vector<256xi32> to vector<256x1xi32>
    %slice3A_514 = vector.extract_strided_slice %get3A_1 {offsets = [0, 1513], sizes = [256, 100], strides = [1, 1]} : vector<256x2613xf32> to vector<256x100xf32>
    %reduce_max3A_515 = arith.constant dense<0xFF800000> : vector<256xf32>
    %reduce_max3A_516 = vector.multi_reduction <maximumf>, %slice3A_514, %reduce_max3A_515 [1] : vector<256x100xf32> to vector<256xf32>
    %broadcast_in_dim3A_517 = vector.shape_cast %reduce_max3A_516 : vector<256xf32> to vector<256x1xf32>
    %eq3A_518 = vector.broadcast %broadcast_in_dim3A_517 : vector<256x1xf32> to vector<256x100xf32>
    %eq3A_519 = arith.cmpf oeq, %slice3A_514, %eq3A_518 : vector<256x100xf32>
    %add3A_520 = arith.constant 1500 : i32
    %add3A_521 = vector.broadcast %add3A_520 : i32 to vector<256x100xi32>
    %add3A_522 = arith.addi %iota3A, %add3A_521 : vector<256x100xi32>
    %jit3A_523 = arith.constant 3000 : i32
    %broadcast_in_dim3A_524 = vector.broadcast %jit3A_523 : i32 to vector<256x100xi32>
    %select_n3A_525 = arith.select %eq3A_519, %add3A_522, %broadcast_in_dim3A_524 : vector<256x100xi1>, vector<256x100xi32>
    %reduce_min3A_526 = arith.constant dense<2147483647> : vector<256xi32>
    %reduce_min3A_527 = vector.multi_reduction <minsi>, %select_n3A_525, %reduce_min3A_526 [1] : vector<256x100xi32> to vector<256xi32>
    %broadcast_in_dim3A_528 = vector.shape_cast %reduce_min3A_527 : vector<256xi32> to vector<256x1xi32>
    %slice3A_529 = vector.extract_strided_slice %get3A_1 {offsets = [0, 1613], sizes = [256, 100], strides = [1, 1]} : vector<256x2613xf32> to vector<256x100xf32>
    %reduce_max3A_530 = arith.constant dense<0xFF800000> : vector<256xf32>
    %reduce_max3A_531 = vector.multi_reduction <maximumf>, %slice3A_529, %reduce_max3A_530 [1] : vector<256x100xf32> to vector<256xf32>
    %broadcast_in_dim3A_532 = vector.shape_cast %reduce_max3A_531 : vector<256xf32> to vector<256x1xf32>
    %eq3A_533 = vector.broadcast %broadcast_in_dim3A_532 : vector<256x1xf32> to vector<256x100xf32>
    %eq3A_534 = arith.cmpf oeq, %slice3A_529, %eq3A_533 : vector<256x100xf32>
    %add3A_535 = arith.constant 1600 : i32
    %add3A_536 = vector.broadcast %add3A_535 : i32 to vector<256x100xi32>
    %add3A_537 = arith.addi %iota3A, %add3A_536 : vector<256x100xi32>
    %jit3A_538 = arith.constant 3000 : i32
    %broadcast_in_dim3A_539 = vector.broadcast %jit3A_538 : i32 to vector<256x100xi32>
    %select_n3A_540 = arith.select %eq3A_534, %add3A_537, %broadcast_in_dim3A_539 : vector<256x100xi1>, vector<256x100xi32>
    %reduce_min3A_541 = arith.constant dense<2147483647> : vector<256xi32>
    %reduce_min3A_542 = vector.multi_reduction <minsi>, %select_n3A_540, %reduce_min3A_541 [1] : vector<256x100xi32> to vector<256xi32>
    %broadcast_in_dim3A_543 = vector.shape_cast %reduce_min3A_542 : vector<256xi32> to vector<256x1xi32>
    %slice3A_544 = vector.extract_strided_slice %get3A_1 {offsets = [0, 1713], sizes = [256, 100], strides = [1, 1]} : vector<256x2613xf32> to vector<256x100xf32>
    %reduce_max3A_545 = arith.constant dense<0xFF800000> : vector<256xf32>
    %reduce_max3A_546 = vector.multi_reduction <maximumf>, %slice3A_544, %reduce_max3A_545 [1] : vector<256x100xf32> to vector<256xf32>
    %broadcast_in_dim3A_547 = vector.shape_cast %reduce_max3A_546 : vector<256xf32> to vector<256x1xf32>
    %eq3A_548 = vector.broadcast %broadcast_in_dim3A_547 : vector<256x1xf32> to vector<256x100xf32>
    %eq3A_549 = arith.cmpf oeq, %slice3A_544, %eq3A_548 : vector<256x100xf32>
    %add3A_550 = arith.constant 1700 : i32
    %add3A_551 = vector.broadcast %add3A_550 : i32 to vector<256x100xi32>
    %add3A_552 = arith.addi %iota3A, %add3A_551 : vector<256x100xi32>
    %jit3A_553 = arith.constant 3000 : i32
    %broadcast_in_dim3A_554 = vector.broadcast %jit3A_553 : i32 to vector<256x100xi32>
    %select_n3A_555 = arith.select %eq3A_549, %add3A_552, %broadcast_in_dim3A_554 : vector<256x100xi1>, vector<256x100xi32>
    %reduce_min3A_556 = arith.constant dense<2147483647> : vector<256xi32>
    %reduce_min3A_557 = vector.multi_reduction <minsi>, %select_n3A_555, %reduce_min3A_556 [1] : vector<256x100xi32> to vector<256xi32>
    %broadcast_in_dim3A_558 = vector.shape_cast %reduce_min3A_557 : vector<256xi32> to vector<256x1xi32>
    %slice3A_559 = vector.extract_strided_slice %get3A_1 {offsets = [0, 1813], sizes = [256, 100], strides = [1, 1]} : vector<256x2613xf32> to vector<256x100xf32>
    %reduce_max3A_560 = arith.constant dense<0xFF800000> : vector<256xf32>
    %reduce_max3A_561 = vector.multi_reduction <maximumf>, %slice3A_559, %reduce_max3A_560 [1] : vector<256x100xf32> to vector<256xf32>
    %broadcast_in_dim3A_562 = vector.shape_cast %reduce_max3A_561 : vector<256xf32> to vector<256x1xf32>
    %eq3A_563 = vector.broadcast %broadcast_in_dim3A_562 : vector<256x1xf32> to vector<256x100xf32>
    %eq3A_564 = arith.cmpf oeq, %slice3A_559, %eq3A_563 : vector<256x100xf32>
    %add3A_565 = arith.constant 1800 : i32
    %add3A_566 = vector.broadcast %add3A_565 : i32 to vector<256x100xi32>
    %add3A_567 = arith.addi %iota3A, %add3A_566 : vector<256x100xi32>
    %jit3A_568 = arith.constant 3000 : i32
    %broadcast_in_dim3A_569 = vector.broadcast %jit3A_568 : i32 to vector<256x100xi32>
    %select_n3A_570 = arith.select %eq3A_564, %add3A_567, %broadcast_in_dim3A_569 : vector<256x100xi1>, vector<256x100xi32>
    %reduce_min3A_571 = arith.constant dense<2147483647> : vector<256xi32>
    %reduce_min3A_572 = vector.multi_reduction <minsi>, %select_n3A_570, %reduce_min3A_571 [1] : vector<256x100xi32> to vector<256xi32>
    %broadcast_in_dim3A_573 = vector.shape_cast %reduce_min3A_572 : vector<256xi32> to vector<256x1xi32>
    %slice3A_574 = vector.extract_strided_slice %get3A_1 {offsets = [0, 1913], sizes = [256, 100], strides = [1, 1]} : vector<256x2613xf32> to vector<256x100xf32>
    %reduce_max3A_575 = arith.constant dense<0xFF800000> : vector<256xf32>
    %reduce_max3A_576 = vector.multi_reduction <maximumf>, %slice3A_574, %reduce_max3A_575 [1] : vector<256x100xf32> to vector<256xf32>
    %broadcast_in_dim3A_577 = vector.shape_cast %reduce_max3A_576 : vector<256xf32> to vector<256x1xf32>
    %eq3A_578 = vector.broadcast %broadcast_in_dim3A_577 : vector<256x1xf32> to vector<256x100xf32>
    %eq3A_579 = arith.cmpf oeq, %slice3A_574, %eq3A_578 : vector<256x100xf32>
    %add3A_580 = arith.constant 1900 : i32
    %add3A_581 = vector.broadcast %add3A_580 : i32 to vector<256x100xi32>
    %add3A_582 = arith.addi %iota3A, %add3A_581 : vector<256x100xi32>
    %jit3A_583 = arith.constant 3000 : i32
    %broadcast_in_dim3A_584 = vector.broadcast %jit3A_583 : i32 to vector<256x100xi32>
    %select_n3A_585 = arith.select %eq3A_579, %add3A_582, %broadcast_in_dim3A_584 : vector<256x100xi1>, vector<256x100xi32>
    %reduce_min3A_586 = arith.constant dense<2147483647> : vector<256xi32>
    %reduce_min3A_587 = vector.multi_reduction <minsi>, %select_n3A_585, %reduce_min3A_586 [1] : vector<256x100xi32> to vector<256xi32>
    %broadcast_in_dim3A_588 = vector.shape_cast %reduce_min3A_587 : vector<256xi32> to vector<256x1xi32>
    %slice3A_589 = vector.extract_strided_slice %get3A_1 {offsets = [0, 2013], sizes = [256, 100], strides = [1, 1]} : vector<256x2613xf32> to vector<256x100xf32>
    %reduce_max3A_590 = arith.constant dense<0xFF800000> : vector<256xf32>
    %reduce_max3A_591 = vector.multi_reduction <maximumf>, %slice3A_589, %reduce_max3A_590 [1] : vector<256x100xf32> to vector<256xf32>
    %broadcast_in_dim3A_592 = vector.shape_cast %reduce_max3A_591 : vector<256xf32> to vector<256x1xf32>
    %eq3A_593 = vector.broadcast %broadcast_in_dim3A_592 : vector<256x1xf32> to vector<256x100xf32>
    %eq3A_594 = arith.cmpf oeq, %slice3A_589, %eq3A_593 : vector<256x100xf32>
    %add3A_595 = arith.constant 2000 : i32
    %add3A_596 = vector.broadcast %add3A_595 : i32 to vector<256x100xi32>
    %add3A_597 = arith.addi %iota3A, %add3A_596 : vector<256x100xi32>
    %jit3A_598 = arith.constant 3000 : i32
    %broadcast_in_dim3A_599 = vector.broadcast %jit3A_598 : i32 to vector<256x100xi32>
    %select_n3A_600 = arith.select %eq3A_594, %add3A_597, %broadcast_in_dim3A_599 : vector<256x100xi1>, vector<256x100xi32>
    %reduce_min3A_601 = arith.constant dense<2147483647> : vector<256xi32>
    %reduce_min3A_602 = vector.multi_reduction <minsi>, %select_n3A_600, %reduce_min3A_601 [1] : vector<256x100xi32> to vector<256xi32>
    %broadcast_in_dim3A_603 = vector.shape_cast %reduce_min3A_602 : vector<256xi32> to vector<256x1xi32>
    %slice3A_604 = vector.extract_strided_slice %get3A_1 {offsets = [0, 2113], sizes = [256, 100], strides = [1, 1]} : vector<256x2613xf32> to vector<256x100xf32>
    %reduce_max3A_605 = arith.constant dense<0xFF800000> : vector<256xf32>
    %reduce_max3A_606 = vector.multi_reduction <maximumf>, %slice3A_604, %reduce_max3A_605 [1] : vector<256x100xf32> to vector<256xf32>
    %broadcast_in_dim3A_607 = vector.shape_cast %reduce_max3A_606 : vector<256xf32> to vector<256x1xf32>
    %eq3A_608 = vector.broadcast %broadcast_in_dim3A_607 : vector<256x1xf32> to vector<256x100xf32>
    %eq3A_609 = arith.cmpf oeq, %slice3A_604, %eq3A_608 : vector<256x100xf32>
    %add3A_610 = arith.constant 2100 : i32
    %add3A_611 = vector.broadcast %add3A_610 : i32 to vector<256x100xi32>
    %add3A_612 = arith.addi %iota3A, %add3A_611 : vector<256x100xi32>
    %jit3A_613 = arith.constant 3000 : i32
    %broadcast_in_dim3A_614 = vector.broadcast %jit3A_613 : i32 to vector<256x100xi32>
    %select_n3A_615 = arith.select %eq3A_609, %add3A_612, %broadcast_in_dim3A_614 : vector<256x100xi1>, vector<256x100xi32>
    %reduce_min3A_616 = arith.constant dense<2147483647> : vector<256xi32>
    %reduce_min3A_617 = vector.multi_reduction <minsi>, %select_n3A_615, %reduce_min3A_616 [1] : vector<256x100xi32> to vector<256xi32>
    %broadcast_in_dim3A_618 = vector.shape_cast %reduce_min3A_617 : vector<256xi32> to vector<256x1xi32>
    %slice3A_619 = vector.extract_strided_slice %get3A_1 {offsets = [0, 2213], sizes = [256, 100], strides = [1, 1]} : vector<256x2613xf32> to vector<256x100xf32>
    %reduce_max3A_620 = arith.constant dense<0xFF800000> : vector<256xf32>
    %reduce_max3A_621 = vector.multi_reduction <maximumf>, %slice3A_619, %reduce_max3A_620 [1] : vector<256x100xf32> to vector<256xf32>
    %broadcast_in_dim3A_622 = vector.shape_cast %reduce_max3A_621 : vector<256xf32> to vector<256x1xf32>
    %eq3A_623 = vector.broadcast %broadcast_in_dim3A_622 : vector<256x1xf32> to vector<256x100xf32>
    %eq3A_624 = arith.cmpf oeq, %slice3A_619, %eq3A_623 : vector<256x100xf32>
    %add3A_625 = arith.constant 2200 : i32
    %add3A_626 = vector.broadcast %add3A_625 : i32 to vector<256x100xi32>
    %add3A_627 = arith.addi %iota3A, %add3A_626 : vector<256x100xi32>
    %jit3A_628 = arith.constant 3000 : i32
    %broadcast_in_dim3A_629 = vector.broadcast %jit3A_628 : i32 to vector<256x100xi32>
    %select_n3A_630 = arith.select %eq3A_624, %add3A_627, %broadcast_in_dim3A_629 : vector<256x100xi1>, vector<256x100xi32>
    %reduce_min3A_631 = arith.constant dense<2147483647> : vector<256xi32>
    %reduce_min3A_632 = vector.multi_reduction <minsi>, %select_n3A_630, %reduce_min3A_631 [1] : vector<256x100xi32> to vector<256xi32>
    %broadcast_in_dim3A_633 = vector.shape_cast %reduce_min3A_632 : vector<256xi32> to vector<256x1xi32>
    %slice3A_634 = vector.extract_strided_slice %get3A_1 {offsets = [0, 2313], sizes = [256, 100], strides = [1, 1]} : vector<256x2613xf32> to vector<256x100xf32>
    %reduce_max3A_635 = arith.constant dense<0xFF800000> : vector<256xf32>
    %reduce_max3A_636 = vector.multi_reduction <maximumf>, %slice3A_634, %reduce_max3A_635 [1] : vector<256x100xf32> to vector<256xf32>
    %broadcast_in_dim3A_637 = vector.shape_cast %reduce_max3A_636 : vector<256xf32> to vector<256x1xf32>
    %eq3A_638 = vector.broadcast %broadcast_in_dim3A_637 : vector<256x1xf32> to vector<256x100xf32>
    %eq3A_639 = arith.cmpf oeq, %slice3A_634, %eq3A_638 : vector<256x100xf32>
    %add3A_640 = arith.constant 2300 : i32
    %add3A_641 = vector.broadcast %add3A_640 : i32 to vector<256x100xi32>
    %add3A_642 = arith.addi %iota3A, %add3A_641 : vector<256x100xi32>
    %jit3A_643 = arith.constant 3000 : i32
    %broadcast_in_dim3A_644 = vector.broadcast %jit3A_643 : i32 to vector<256x100xi32>
    %select_n3A_645 = arith.select %eq3A_639, %add3A_642, %broadcast_in_dim3A_644 : vector<256x100xi1>, vector<256x100xi32>
    %reduce_min3A_646 = arith.constant dense<2147483647> : vector<256xi32>
    %reduce_min3A_647 = vector.multi_reduction <minsi>, %select_n3A_645, %reduce_min3A_646 [1] : vector<256x100xi32> to vector<256xi32>
    %broadcast_in_dim3A_648 = vector.shape_cast %reduce_min3A_647 : vector<256xi32> to vector<256x1xi32>
    %slice3A_649 = vector.extract_strided_slice %get3A_1 {offsets = [0, 2413], sizes = [256, 100], strides = [1, 1]} : vector<256x2613xf32> to vector<256x100xf32>
    %reduce_max3A_650 = arith.constant dense<0xFF800000> : vector<256xf32>
    %reduce_max3A_651 = vector.multi_reduction <maximumf>, %slice3A_649, %reduce_max3A_650 [1] : vector<256x100xf32> to vector<256xf32>
    %broadcast_in_dim3A_652 = vector.shape_cast %reduce_max3A_651 : vector<256xf32> to vector<256x1xf32>
    %eq3A_653 = vector.broadcast %broadcast_in_dim3A_652 : vector<256x1xf32> to vector<256x100xf32>
    %eq3A_654 = arith.cmpf oeq, %slice3A_649, %eq3A_653 : vector<256x100xf32>
    %add3A_655 = arith.constant 2400 : i32
    %add3A_656 = vector.broadcast %add3A_655 : i32 to vector<256x100xi32>
    %add3A_657 = arith.addi %iota3A, %add3A_656 : vector<256x100xi32>
    %jit3A_658 = arith.constant 3000 : i32
    %broadcast_in_dim3A_659 = vector.broadcast %jit3A_658 : i32 to vector<256x100xi32>
    %select_n3A_660 = arith.select %eq3A_654, %add3A_657, %broadcast_in_dim3A_659 : vector<256x100xi1>, vector<256x100xi32>
    %reduce_min3A_661 = arith.constant dense<2147483647> : vector<256xi32>
    %reduce_min3A_662 = vector.multi_reduction <minsi>, %select_n3A_660, %reduce_min3A_661 [1] : vector<256x100xi32> to vector<256xi32>
    %broadcast_in_dim3A_663 = vector.shape_cast %reduce_min3A_662 : vector<256xi32> to vector<256x1xi32>
    %slice3A_664 = vector.extract_strided_slice %get3A_1 {offsets = [0, 2513], sizes = [256, 100], strides = [1, 1]} : vector<256x2613xf32> to vector<256x100xf32>
    %reduce_max3A_665 = arith.constant dense<0xFF800000> : vector<256xf32>
    %reduce_max3A_666 = vector.multi_reduction <maximumf>, %slice3A_664, %reduce_max3A_665 [1] : vector<256x100xf32> to vector<256xf32>
    %broadcast_in_dim3A_667 = vector.shape_cast %reduce_max3A_666 : vector<256xf32> to vector<256x1xf32>
    %eq3A_668 = vector.broadcast %broadcast_in_dim3A_667 : vector<256x1xf32> to vector<256x100xf32>
    %eq3A_669 = arith.cmpf oeq, %slice3A_664, %eq3A_668 : vector<256x100xf32>
    %add3A_670 = arith.constant 2500 : i32
    %add3A_671 = vector.broadcast %add3A_670 : i32 to vector<256x100xi32>
    %add3A_672 = arith.addi %iota3A, %add3A_671 : vector<256x100xi32>
    %jit3A_673 = arith.constant 3000 : i32
    %broadcast_in_dim3A_674 = vector.broadcast %jit3A_673 : i32 to vector<256x100xi32>
    %select_n3A_675 = arith.select %eq3A_669, %add3A_672, %broadcast_in_dim3A_674 : vector<256x100xi1>, vector<256x100xi32>
    %reduce_min3A_676 = arith.constant dense<2147483647> : vector<256xi32>
    %reduce_min3A_677 = vector.multi_reduction <minsi>, %select_n3A_675, %reduce_min3A_676 [1] : vector<256x100xi32> to vector<256xi32>
    %broadcast_in_dim3A_678 = vector.shape_cast %reduce_min3A_677 : vector<256xi32> to vector<256x1xi32>
    %concatenate3A = tpu.concatenate %broadcast_in_dim3A_303, %broadcast_in_dim3A_318, %broadcast_in_dim3A_333, %broadcast_in_dim3A_348, %broadcast_in_dim3A_363, %broadcast_in_dim3A_378, %broadcast_in_dim3A_393, %broadcast_in_dim3A_408, %broadcast_in_dim3A_423, %broadcast_in_dim3A_438, %broadcast_in_dim3A_453, %broadcast_in_dim3A_468, %broadcast_in_dim3A_483, %broadcast_in_dim3A_498, %broadcast_in_dim3A_513, %broadcast_in_dim3A_528, %broadcast_in_dim3A_543, %broadcast_in_dim3A_558, %broadcast_in_dim3A_573, %broadcast_in_dim3A_588, %broadcast_in_dim3A_603, %broadcast_in_dim3A_618, %broadcast_in_dim3A_633, %broadcast_in_dim3A_648, %broadcast_in_dim3A_663, %broadcast_in_dim3A_678 in 1 : vector<256x1xi32>, vector<256x1xi32>, vector<256x1xi32>, vector<256x1xi32>, vector<256x1xi32>, vector<256x1xi32>, vector<256x1xi32>, vector<256x1xi32>, vector<256x1xi32>, vector<256x1xi32>, vector<256x1xi32>, vector<256x1xi32>, vector<256x1xi32>, vector<256x1xi32>, vector<256x1xi32>, vector<256x1xi32>, vector<256x1xi32>, vector<256x1xi32>, vector<256x1xi32>, vector<256x1xi32>, vector<256x1xi32>, vector<256x1xi32>, vector<256x1xi32>, vector<256x1xi32>, vector<256x1xi32>, vector<256x1xi32> -> vector<256x26xi32>
    %swap3A_679 = arith.constant 0 : index
    %swap3A_680 = arith.constant 0 : index
    %swap3A_681 = vector.load %arg9[%swap3A_679, %swap3A_680] : memref<256x26xi32, #tpu.memory_space<vmem>>, vector<256x26xi32>
    tpu.vector_store %arg9[%swap3A_679, %swap3A_680], %concatenate3A {strides = array<i32>} : memref<256x26xi32, #tpu.memory_space<vmem>>, vector<256x26xi32>,
    %iota3A_682 = tpu.iota {dimensions = array<i32: 1>} : vector<256x50xi32>
    %slice3A_683 = vector.extract_strided_slice %get3A_4 {offsets = [0, 4], sizes = [256, 50], strides = [1, 1]} : vector<256x404xf32> to vector<256x50xf32>
    %reduce_max3A_684 = arith.constant dense<0xFF800000> : vector<256xf32>
    %reduce_max3A_685 = vector.multi_reduction <maximumf>, %slice3A_683, %reduce_max3A_684 [1] : vector<256x50xf32> to vector<256xf32>
    %broadcast_in_dim3A_686 = vector.shape_cast %reduce_max3A_685 : vector<256xf32> to vector<256x1xf32>
    %eq3A_687 = vector.broadcast %broadcast_in_dim3A_686 : vector<256x1xf32> to vector<256x50xf32>
    %eq3A_688 = arith.cmpf oeq, %slice3A_683, %eq3A_687 : vector<256x50xf32>
    %add3A_689 = arith.constant 2600 : i32
    %add3A_690 = vector.broadcast %add3A_689 : i32 to vector<256x50xi32>
    %add3A_691 = arith.addi %iota3A_682, %add3A_690 : vector<256x50xi32>
    %jit3A_692 = arith.constant 3000 : i32
    %broadcast_in_dim3A_693 = vector.broadcast %jit3A_692 : i32 to vector<256x50xi32>
    %select_n3A_694 = arith.select %eq3A_688, %add3A_691, %broadcast_in_dim3A_693 : vector<256x50xi1>, vector<256x50xi32>
    %reduce_min3A_695 = arith.constant dense<2147483647> : vector<256xi32>
    %reduce_min3A_696 = vector.multi_reduction <minsi>, %select_n3A_694, %reduce_min3A_695 [1] : vector<256x50xi32> to vector<256xi32>
    %broadcast_in_dim3A_697 = vector.shape_cast %reduce_min3A_696 : vector<256xi32> to vector<256x1xi32>
    %slice3A_698 = vector.extract_strided_slice %get3A_4 {offsets = [0, 54], sizes = [256, 50], strides = [1, 1]} : vector<256x404xf32> to vector<256x50xf32>
    %reduce_max3A_699 = arith.constant dense<0xFF800000> : vector<256xf32>
    %reduce_max3A_700 = vector.multi_reduction <maximumf>, %slice3A_698, %reduce_max3A_699 [1] : vector<256x50xf32> to vector<256xf32>
    %broadcast_in_dim3A_701 = vector.shape_cast %reduce_max3A_700 : vector<256xf32> to vector<256x1xf32>
    %eq3A_702 = vector.broadcast %broadcast_in_dim3A_701 : vector<256x1xf32> to vector<256x50xf32>
    %eq3A_703 = arith.cmpf oeq, %slice3A_698, %eq3A_702 : vector<256x50xf32>
    %add3A_704 = arith.constant 2650 : i32
    %add3A_705 = vector.broadcast %add3A_704 : i32 to vector<256x50xi32>
    %add3A_706 = arith.addi %iota3A_682, %add3A_705 : vector<256x50xi32>
    %jit3A_707 = arith.constant 3000 : i32
    %broadcast_in_dim3A_708 = vector.broadcast %jit3A_707 : i32 to vector<256x50xi32>
    %select_n3A_709 = arith.select %eq3A_703, %add3A_706, %broadcast_in_dim3A_708 : vector<256x50xi1>, vector<256x50xi32>
    %reduce_min3A_710 = arith.constant dense<2147483647> : vector<256xi32>
    %reduce_min3A_711 = vector.multi_reduction <minsi>, %select_n3A_709, %reduce_min3A_710 [1] : vector<256x50xi32> to vector<256xi32>
    %broadcast_in_dim3A_712 = vector.shape_cast %reduce_min3A_711 : vector<256xi32> to vector<256x1xi32>
    %slice3A_713 = vector.extract_strided_slice %get3A_4 {offsets = [0, 104], sizes = [256, 50], strides = [1, 1]} : vector<256x404xf32> to vector<256x50xf32>
    %reduce_max3A_714 = arith.constant dense<0xFF800000> : vector<256xf32>
    %reduce_max3A_715 = vector.multi_reduction <maximumf>, %slice3A_713, %reduce_max3A_714 [1] : vector<256x50xf32> to vector<256xf32>
    %broadcast_in_dim3A_716 = vector.shape_cast %reduce_max3A_715 : vector<256xf32> to vector<256x1xf32>
    %eq3A_717 = vector.broadcast %broadcast_in_dim3A_716 : vector<256x1xf32> to vector<256x50xf32>
    %eq3A_718 = arith.cmpf oeq, %slice3A_713, %eq3A_717 : vector<256x50xf32>
    %add3A_719 = arith.constant 2700 : i32
    %add3A_720 = vector.broadcast %add3A_719 : i32 to vector<256x50xi32>
    %add3A_721 = arith.addi %iota3A_682, %add3A_720 : vector<256x50xi32>
    %jit3A_722 = arith.constant 3000 : i32
    %broadcast_in_dim3A_723 = vector.broadcast %jit3A_722 : i32 to vector<256x50xi32>
    %select_n3A_724 = arith.select %eq3A_718, %add3A_721, %broadcast_in_dim3A_723 : vector<256x50xi1>, vector<256x50xi32>
    %reduce_min3A_725 = arith.constant dense<2147483647> : vector<256xi32>
    %reduce_min3A_726 = vector.multi_reduction <minsi>, %select_n3A_724, %reduce_min3A_725 [1] : vector<256x50xi32> to vector<256xi32>
    %broadcast_in_dim3A_727 = vector.shape_cast %reduce_min3A_726 : vector<256xi32> to vector<256x1xi32>
    %slice3A_728 = vector.extract_strided_slice %get3A_4 {offsets = [0, 154], sizes = [256, 50], strides = [1, 1]} : vector<256x404xf32> to vector<256x50xf32>
    %reduce_max3A_729 = arith.constant dense<0xFF800000> : vector<256xf32>
    %reduce_max3A_730 = vector.multi_reduction <maximumf>, %slice3A_728, %reduce_max3A_729 [1] : vector<256x50xf32> to vector<256xf32>
    %broadcast_in_dim3A_731 = vector.shape_cast %reduce_max3A_730 : vector<256xf32> to vector<256x1xf32>
    %eq3A_732 = vector.broadcast %broadcast_in_dim3A_731 : vector<256x1xf32> to vector<256x50xf32>
    %eq3A_733 = arith.cmpf oeq, %slice3A_728, %eq3A_732 : vector<256x50xf32>
    %add3A_734 = arith.constant 2750 : i32
    %add3A_735 = vector.broadcast %add3A_734 : i32 to vector<256x50xi32>
    %add3A_736 = arith.addi %iota3A_682, %add3A_735 : vector<256x50xi32>
    %jit3A_737 = arith.constant 3000 : i32
    %broadcast_in_dim3A_738 = vector.broadcast %jit3A_737 : i32 to vector<256x50xi32>
    %select_n3A_739 = arith.select %eq3A_733, %add3A_736, %broadcast_in_dim3A_738 : vector<256x50xi1>, vector<256x50xi32>
    %reduce_min3A_740 = arith.constant dense<2147483647> : vector<256xi32>
    %reduce_min3A_741 = vector.multi_reduction <minsi>, %select_n3A_739, %reduce_min3A_740 [1] : vector<256x50xi32> to vector<256xi32>
    %broadcast_in_dim3A_742 = vector.shape_cast %reduce_min3A_741 : vector<256xi32> to vector<256x1xi32>
    %slice3A_743 = vector.extract_strided_slice %get3A_4 {offsets = [0, 204], sizes = [256, 50], strides = [1, 1]} : vector<256x404xf32> to vector<256x50xf32>
    %reduce_max3A_744 = arith.constant dense<0xFF800000> : vector<256xf32>
    %reduce_max3A_745 = vector.multi_reduction <maximumf>, %slice3A_743, %reduce_max3A_744 [1] : vector<256x50xf32> to vector<256xf32>
    %broadcast_in_dim3A_746 = vector.shape_cast %reduce_max3A_745 : vector<256xf32> to vector<256x1xf32>
    %eq3A_747 = vector.broadcast %broadcast_in_dim3A_746 : vector<256x1xf32> to vector<256x50xf32>
    %eq3A_748 = arith.cmpf oeq, %slice3A_743, %eq3A_747 : vector<256x50xf32>
    %add3A_749 = arith.constant 2800 : i32
    %add3A_750 = vector.broadcast %add3A_749 : i32 to vector<256x50xi32>
    %add3A_751 = arith.addi %iota3A_682, %add3A_750 : vector<256x50xi32>
    %jit3A_752 = arith.constant 3000 : i32
    %broadcast_in_dim3A_753 = vector.broadcast %jit3A_752 : i32 to vector<256x50xi32>
    %select_n3A_754 = arith.select %eq3A_748, %add3A_751, %broadcast_in_dim3A_753 : vector<256x50xi1>, vector<256x50xi32>
    %reduce_min3A_755 = arith.constant dense<2147483647> : vector<256xi32>
    %reduce_min3A_756 = vector.multi_reduction <minsi>, %select_n3A_754, %reduce_min3A_755 [1] : vector<256x50xi32> to vector<256xi32>
    %broadcast_in_dim3A_757 = vector.shape_cast %reduce_min3A_756 : vector<256xi32> to vector<256x1xi32>
    %slice3A_758 = vector.extract_strided_slice %get3A_4 {offsets = [0, 254], sizes = [256, 50], strides = [1, 1]} : vector<256x404xf32> to vector<256x50xf32>
    %reduce_max3A_759 = arith.constant dense<0xFF800000> : vector<256xf32>
    %reduce_max3A_760 = vector.multi_reduction <maximumf>, %slice3A_758, %reduce_max3A_759 [1] : vector<256x50xf32> to vector<256xf32>
    %broadcast_in_dim3A_761 = vector.shape_cast %reduce_max3A_760 : vector<256xf32> to vector<256x1xf32>
    %eq3A_762 = vector.broadcast %broadcast_in_dim3A_761 : vector<256x1xf32> to vector<256x50xf32>
    %eq3A_763 = arith.cmpf oeq, %slice3A_758, %eq3A_762 : vector<256x50xf32>
    %add3A_764 = arith.constant 2850 : i32
    %add3A_765 = vector.broadcast %add3A_764 : i32 to vector<256x50xi32>
    %add3A_766 = arith.addi %iota3A_682, %add3A_765 : vector<256x50xi32>
    %jit3A_767 = arith.constant 3000 : i32
    %broadcast_in_dim3A_768 = vector.broadcast %jit3A_767 : i32 to vector<256x50xi32>
    %select_n3A_769 = arith.select %eq3A_763, %add3A_766, %broadcast_in_dim3A_768 : vector<256x50xi1>, vector<256x50xi32>
    %reduce_min3A_770 = arith.constant dense<2147483647> : vector<256xi32>
    %reduce_min3A_771 = vector.multi_reduction <minsi>, %select_n3A_769, %reduce_min3A_770 [1] : vector<256x50xi32> to vector<256xi32>
    %broadcast_in_dim3A_772 = vector.shape_cast %reduce_min3A_771 : vector<256xi32> to vector<256x1xi32>
    %slice3A_773 = vector.extract_strided_slice %get3A_4 {offsets = [0, 304], sizes = [256, 50], strides = [1, 1]} : vector<256x404xf32> to vector<256x50xf32>
    %reduce_max3A_774 = arith.constant dense<0xFF800000> : vector<256xf32>
    %reduce_max3A_775 = vector.multi_reduction <maximumf>, %slice3A_773, %reduce_max3A_774 [1] : vector<256x50xf32> to vector<256xf32>
    %broadcast_in_dim3A_776 = vector.shape_cast %reduce_max3A_775 : vector<256xf32> to vector<256x1xf32>
    %eq3A_777 = vector.broadcast %broadcast_in_dim3A_776 : vector<256x1xf32> to vector<256x50xf32>
    %eq3A_778 = arith.cmpf oeq, %slice3A_773, %eq3A_777 : vector<256x50xf32>
    %add3A_779 = arith.constant 2900 : i32
    %add3A_780 = vector.broadcast %add3A_779 : i32 to vector<256x50xi32>
    %add3A_781 = arith.addi %iota3A_682, %add3A_780 : vector<256x50xi32>
    %jit3A_782 = arith.constant 3000 : i32
    %broadcast_in_dim3A_783 = vector.broadcast %jit3A_782 : i32 to vector<256x50xi32>
    %select_n3A_784 = arith.select %eq3A_778, %add3A_781, %broadcast_in_dim3A_783 : vector<256x50xi1>, vector<256x50xi32>
    %reduce_min3A_785 = arith.constant dense<2147483647> : vector<256xi32>
    %reduce_min3A_786 = vector.multi_reduction <minsi>, %select_n3A_784, %reduce_min3A_785 [1] : vector<256x50xi32> to vector<256xi32>
    %broadcast_in_dim3A_787 = vector.shape_cast %reduce_min3A_786 : vector<256xi32> to vector<256x1xi32>
    %slice3A_788 = vector.extract_strided_slice %get3A_4 {offsets = [0, 354], sizes = [256, 50], strides = [1, 1]} : vector<256x404xf32> to vector<256x50xf32>
    %reduce_max3A_789 = arith.constant dense<0xFF800000> : vector<256xf32>
    %reduce_max3A_790 = vector.multi_reduction <maximumf>, %slice3A_788, %reduce_max3A_789 [1] : vector<256x50xf32> to vector<256xf32>
    %broadcast_in_dim3A_791 = vector.shape_cast %reduce_max3A_790 : vector<256xf32> to vector<256x1xf32>
    %eq3A_792 = vector.broadcast %broadcast_in_dim3A_791 : vector<256x1xf32> to vector<256x50xf32>
    %eq3A_793 = arith.cmpf oeq, %slice3A_788, %eq3A_792 : vector<256x50xf32>
    %add3A_794 = arith.constant 2950 : i32
    %add3A_795 = vector.broadcast %add3A_794 : i32 to vector<256x50xi32>
    %add3A_796 = arith.addi %iota3A_682, %add3A_795 : vector<256x50xi32>
    %jit3A_797 = arith.constant 3000 : i32
    %broadcast_in_dim3A_798 = vector.broadcast %jit3A_797 : i32 to vector<256x50xi32>
    %select_n3A_799 = arith.select %eq3A_793, %add3A_796, %broadcast_in_dim3A_798 : vector<256x50xi1>, vector<256x50xi32>
    %reduce_min3A_800 = arith.constant dense<2147483647> : vector<256xi32>
    %reduce_min3A_801 = vector.multi_reduction <minsi>, %select_n3A_799, %reduce_min3A_800 [1] : vector<256x50xi32> to vector<256xi32>
    %broadcast_in_dim3A_802 = vector.shape_cast %reduce_min3A_801 : vector<256xi32> to vector<256x1xi32>
    %concatenate3A_803 = tpu.concatenate %broadcast_in_dim3A_697, %broadcast_in_dim3A_712, %broadcast_in_dim3A_727, %broadcast_in_dim3A_742, %broadcast_in_dim3A_757, %broadcast_in_dim3A_772, %broadcast_in_dim3A_787, %broadcast_in_dim3A_802 in 1 : vector<256x1xi32>, vector<256x1xi32>, vector<256x1xi32>, vector<256x1xi32>, vector<256x1xi32>, vector<256x1xi32>, vector<256x1xi32>, vector<256x1xi32> -> vector<256x8xi32>
    %swap3A_804 = arith.constant 0 : index
    %swap3A_805 = arith.constant 0 : index
    %swap3A_806 = vector.load %arg10[%swap3A_804, %swap3A_805] : memref<256x8xi32, #tpu.memory_space<vmem>>, vector<256x8xi32>
    tpu.vector_store %arg10[%swap3A_804, %swap3A_805], %concatenate3A_803 {strides = array<i32>} : memref<256x8xi32, #tpu.memory_space<vmem>>, vector<256x8xi32>,
    return
  }
  func.func @transform_0(%arg0: i32) -> (i32, i32) {
    %c0_i32 = arith.constant 0 : i32
    %c0_i32_0 = arith.constant 0 : i32
    return %arg0, %c0_i32 : i32, i32
  }
  func.func @transform_1(%arg0: i32) -> (i32, i32) {
    %c0_i32 = arith.constant 0 : i32
    %c0_i32_0 = arith.constant 0 : i32
    return %arg0, %c0_i32 : i32, i32
  }
  func.func @transform_2(%arg0: i32) -> (i32, i32) {
    %c0_i32 = arith.constant 0 : i32
    %c0_i32_0 = arith.constant 0 : i32
    %c0_i32_1 = arith.constant 0 : i32
    return %c0_i32, %c0_i32_0 : i32, i32
  }
  func.func @transform_3(%arg0: i32) -> (i32, i32) {
    %c0_i32 = arith.constant 0 : i32
    %c0_i32_0 = arith.constant 0 : i32
    %c0_i32_1 = arith.constant 0 : i32
    return %c0_i32, %c0_i32_0 : i32, i32
  }
  func.func @transform_4(%arg0: i32) -> (i32, i32) {
    %c0_i32 = arith.constant 0 : i32
    %c0_i32_0 = arith.constant 0 : i32
    %c0_i32_1 = arith.constant 0 : i32
    return %c0_i32, %c0_i32_0 : i32, i32
  }
  func.func @transform_5(%arg0: i32) -> (i32, i32) {
    %c0_i32 = arith.constant 0 : i32
    %c0_i32_0 = arith.constant 0 : i32
    %c0_i32_1 = arith.constant 0 : i32
    return %c0_i32, %c0_i32_0 : i32, i32
  }
  func.func @transform_6(%arg0: i32) -> (i32, i32, i32) {
    %c0_i32 = arith.constant 0 : i32
    %c0_i32_0 = arith.constant 0 : i32
    %c0_i32_1 = arith.constant 0 : i32
    return %arg0, %c0_i32, %c0_i32_0 : i32, i32, i32
  }
  func.func @transform_7(%arg0: i32) -> (i32, i32) {
    %c0_i32 = arith.constant 0 : i32
    %c0_i32_0 = arith.constant 0 : i32
    return %arg0, %c0_i32 : i32, i32
  }
  func.func @transform_8(%arg0: i32) -> (i32, i32) {
    %c0_i32 = arith.constant 0 : i32
    %c0_i32_0 = arith.constant 0 : i32
    return %arg0, %c0_i32 : i32, i32
  }
  func.func @transform_9(%arg0: i32) -> (i32, i32) {
    %c0_i32 = arith.constant 0 : i32
    %c0_i32_0 = arith.constant 0 : i32
    return %arg0, %c0_i32 : i32, i32
  }
}

</mosaic_0001>

<sc_bundles>
// kernel: kernel.4.cloned.1.call-start
scs
__scs_entry_jumppad:
0x0: {  	(pc) =	sbr.rel $0x88, $3  }
0x1: {  	(tag) =	ssettag $0x0;
	lr =	simm.s32 $0x1  }
0x2: {  	[smem:$0x3F99] =	sst lr;
	_ =	strace $0xD0000000  }
0x3: {  	_ = 	snop  }
0x4: {  	_ = 	snop  }
0x5: {  	_ = 	snop  }
0x6: {  	_ = 	snop  }
0x7: {  	_ = 	snop  }
__scs_overlays_trampoline_lowered:
0x8: {  	[smem:$0x3FA8] =	sst s0  }
0x9: {  	[smem:$0x3FA9] =	sst s1  }
0xa: {  	[smem:$0x3FAA] =	sst s2  }
0xb: {  	[smem:$0x3FAB] =	sst s3  }
0xc: {  	[smem:$0x3FAC] =	sst s4  }
0xd: {  	[smem:$0x3FAD] =	sst s5  }
0xe: {  	[smem:$0x3FAE] =	sst s6  }
0xf: {  	[smem:$0x3FAF] =	sst s7  }
0x10: {  	[smem:$0x3FB0] =	sst s8  }
0x11: {  	[smem:$0x3FB1] =	sst s9;
	s0 =	simm.s32 @!p0 $0x0  }
0x12: {  	s1 =	sld [smem:$0x3F97];
	s0 =	simm.s32 @p0 $0x1  }
0x13: {  	[smem:$0x3FB2] =	sst s0;
	s0 =	simm.s32 @!p1 $0x0  }
0x14: {  	s2 =	sld [smem:$0x3F96];
	s0 =	simm.s32 @p1 $0x1  }
0x15: {  	[smem:$0x3FB3] =	sst s0;
	s0 =	simm.s32 @!p2 $0x0  }
0x16: {  	s3 =	sld [smem:$0x3FDB];
	s0 =	simm.s32 @p2 $0x1  }
0x17: {  	s4 =	simm.s32 $0x1BF5;
	[smem:$0x3FB5] =	sst s0  }
0x18: {  	s0 =	sld [smem:$0x3F98];
	_ =	swait.ge [sflag:s4], $0x0  }
0x19: {  	s7 =	sld [smem:$0x3F99]  }
0x1a: {  	s8 =	sadd.s32 $0xFFFFE003, lr  }
0x1b: {  	s9 =	sadd.s32 $0xFFFFFEF7, lr;
	s5 =	simm.s32 $0xFFFFFFFF;
	p2 =	slt.u32 s8, $0xFFFFF086  }
0x1c: {  	p1 =	slt.u32 s9, $0xF7A;
	s5 =	simm.s32 @!p2 $0x0  }
0x1d: {  	s5 =	simm.s32 @p1 $0x1;
	p0 =	seq.s32 s7, s2  }
0x1e: {  	s7 =	smul.u32 @!p0 $0xF7A, s2;
	p2 =	seq.s32 @!p0 s5, $0x0  }
0x1f: {  	s9 =	smul.u32 $0xF7A, s1;
	s8 =	simm.s32 @!p0 $0x1BF5;
	p2 =	por !p2, p0  }
0x20: {  	[sflag:s8] =	ssyncset.s32 @!p0 $0xFFFFF086;
	s6 =	sadd.s32 @!p0 s3, s7;
	s7 =	simm.s32 @!p0 $0x108  }
0x21: {  	s3 =	sadd.s32 s3, s9;
	s6 =	sadd.s32 @!p0 $0x88, s6;
	s7 =	simm.s32 @p2 $0x1082  }
0x22: {  	[simem:s7], [sflag:s8] =	dma.local @!p0 [hbm:s6], $0xF7A  }
0x23: {  	s9 =	sor.u32 $0xD0000000, s2;
	s6 =	simm.s32 $0x108;
	_ =	swait.ge @!p0 [sflag:s8], $0x0  }
0x24: {  	s3 =	sadd.s32 $0x88, s3;
	s6 =	simm.s32 @!p1 $0x1082;
	[sflag:s4] =	ssyncset.s32 $0xFFFFF086  }
0x25: {  	[simem:s6], [sflag:s4] =	dma.local [hbm:s3], $0xF7A  }
0x26: {  	[smem:$0x3F99] =	sst s1;
	(tag) =	ssettag s2;
	_ =	strace s9  }
0x27: {  	s1 =	sld [smem:$0x3FA9]  }
0x28: {  	s2 =	sld [smem:$0x3FAA]  }
0x29: {  	s4 =	sld [smem:$0x3FAC]  }
0x2a: {  	p0 =	seq.s32 s5, $0x0;
	s5 =	sld [smem:$0x3FAD]  }
0x2b: {  	s6 =	sld [smem:$0x3FAE]  }
0x2c: {  	s7 =	sld [smem:$0x3FAF]  }
0x2d: {  	s3 =	simm.s32 $0x108;
	s8 =	sld [smem:$0x3FB0]  }
0x2e: {  	s3 =	simm.s32 @!p0 $0x1082;
	s9 =	sld [smem:$0x3FB1]  }
0x2f: {  	lr =	sadd.s32 s0, s3;
	s0 =	sld [smem:$0x3FA8]  }
0x30: {  	s3 =	sld [smem:$0x3FAB]  }
0x31: {  	[smem:$0x3FB4] =	sst s10  }
0x32: {  	s10 =	sld [smem:$0x3FB2];
	_ =	sdelay $0x3  }
0x33: {  	p0 =	seq.s32 s10, $0x1;
	s10 =	sld [smem:$0x3FB4];
	_ =	sdelay $0x3  }
0x34: {  	[smem:$0x3FB4] =	sst s10  }
0x35: {  	s10 =	sld [smem:$0x3FB3];
	_ =	sdelay $0x3  }
0x36: {  	p1 =	seq.s32 s10, $0x1;
	s10 =	sld [smem:$0x3FB4];
	_ =	sdelay $0x3  }
0x37: {  	[smem:$0x3FB4] =	sst s10  }
0x38: {  	s10 =	sld [smem:$0x3FB5]  }
0x39: {  	_ = 	snop;
	(pc) =	sbr.ind lr, $3  }
0x3a: {  	_ = 	snop  }
0x3b: {  	_ = 	snop  }
0x3c: {  	p2 =	seq.s32 s10, $0x1;
	s10 =	sld [smem:$0x3FB4]  }
0x3d: {  	_ =	shalt  }
0x3e: {  	_ =	shalt  }
0x3f: {  	_ =	shalt  }
0x40: {  	_ =	shalt  }
0x41: {  	_ =	shalt  }
0x42: {  	_ =	shalt  }
0x43: {  	_ =	shalt  }
0x44: {  	_ =	shalt  }
0x45: {  	_ =	shalt  }
0x46: {  	_ =	shalt  }
0x47: {  	_ =	shalt  }
0x48: {  	_ =	shalt  }
0x49: {  	_ =	shalt  }
0x4a: {  	_ =	shalt  }
0x4b: {  	_ =	shalt  }
0x4c: {  	_ =	shalt  }
0x4d: {  	_ =	shalt  }
0x4e: {  	_ =	shalt  }
0x4f: {  	_ =	shalt  }
0x50: {  	_ =	shalt  }
0x51: {  	_ =	shalt  }
0x52: {  	_ =	shalt  }
0x53: {  	_ =	shalt  }
0x54: {  	_ =	shalt  }
0x55: {  	_ =	shalt  }
0x56: {  	_ =	shalt  }
0x57: {  	_ =	shalt  }
0x58: {  	_ =	shalt  }
0x59: {  	_ =	shalt  }
0x5a: {  	_ =	shalt  }
0x5b: {  	_ =	shalt  }
0x5c: {  	_ =	shalt  }
0x5d: {  	_ =	shalt  }
0x5e: {  	_ =	shalt  }
0x5f: {  	_ =	shalt  }
0x60: {  	_ =	shalt  }
0x61: {  	_ =	shalt  }
0x62: {  	_ =	shalt  }
0x63: {  	_ =	shalt  }
0x64: {  	_ =	shalt  }
0x65: {  	_ =	shalt  }
0x66: {  	_ =	shalt  }
0x67: {  	_ =	shalt  }
0x68: {  	_ =	shalt  }
0x69: {  	_ =	shalt  }
0x6a: {  	_ =	shalt  }
0x6b: {  	_ =	shalt  }
0x6c: {  	_ =	shalt  }
0x6d: {  	_ =	shalt  }
0x6e: {  	_ =	shalt  }
0x6f: {  	_ =	shalt  }
0x70: {  	_ =	shalt  }
0x71: {  	_ =	shalt  }
0x72: {  	_ =	shalt  }
0x73: {  	_ =	shalt  }
0x74: {  	_ =	shalt  }
0x75: {  	_ =	shalt  }
0x76: {  	_ =	shalt  }
0x77: {  	_ =	shalt  }
0x78: {  	_ =	shalt  }
0x79: {  	_ =	shalt  }
0x7a: {  	_ =	shalt  }
0x7b: {  	_ =	shalt  }
0x7c: {  	_ =	shalt  }
0x7d: {  	_ =	shalt  }
0x7e: {  	_ =	shalt  }
0x7f: {  	_ =	shalt  }
0x80: {  	_ =	shalt  }
0x81: {  	_ =	shalt  }
0x82: {  	_ =	shalt  }
0x83: {  	_ =	shalt  }
0x84: {  	_ =	shalt  }
0x85: {  	_ =	shalt  }
0x86: {  	_ =	shalt  }
0x87: {  	_ =	shalt  }
.Lfunc_end0:
.L_simem_size_0:
called_computation.2_lowered:
.L_overlay_start_0:
0x88: {  	s2 =	sld [smem:$0x3FD9]  }
0x89: {  	s3 =	sld [smem:$0x3FFE];
	_ =	sdelay $0x1  }
0x8a: {  	s1 =	srdreg.scid  }
0x8b: {  	s0 =	sand.u32 $0x1, s1  }
0x8c: {  	s14 =	sshll.u32 s0, $0xA;
	s2 =	sadd.s32 s3, s2  }
0x8d: {  	s2 =	sadd.s32 s2, s14  }
0x8e: {  	[smem:$0x3FC0] =	sst s2  }
0x8f: {  	_ = 	snop  }
0x90: {  	s2 =	sld [smem:$0x3FD0];
	_ =	sdelay $0x2  }
0x91: {  	s15 =	simm.s32 $0xB;
	s4 =	simm.s32 $0x10  }
0x92: {  	[smem:s4], [sflag:s15] =	dma.local [hbm:s2], $0x1  }
0x93: {  	_ =	swait.eq [sflag:s15], $0x1  }
0x94: {  	[sflag:s15] =	ssyncset.done $0x0  }
0x95: {  	s16 =	sld [smem:$0x10];
	[sflag:s15] =	ssyncadd.s32 $0xFFFFFFFF  }
0x96: {  	s17 =	sld [smem:$0x11];
	(tm) =	ssettm $0x1  }
0x97: {  	s18 =	sld [smem:$0x3FFB];
	_ =	sdelay $0x3  }
0x98: {  	_ =	strace s18  }
0x99: {  	s4 =	sld [smem:$0x3FFC];
	_ =	sdelay $0x3  }
0x9a: {  	_ =	strace s4  }
0x9b: {  	s4 =	sld [smem:$0x3FFD];
	_ =	sdelay $0x3  }
0x9c: {  	_ =	strace s4  }
0x9d: {  	_ =	strace $0x8FFFFFFF  }
0x9e: {  	s19 =	sld [smem:$0x3FDB];
	_ =	sdelay $0x1  }
0x9f: {  	s5 =	simm.s32 $_scs_section_size  }
0xa0: {  	s6 =	simm.s32 $_size__tile_overlayer_lowered;
	s7 =	simm.s32 $_tile_overlayer_lowered  }
0xa1: {  	s22 =	simm.s32 $0x1BFF;
	s21 =	sshll.u32 s7, $0x1;
	s4 =	sadd.s32 s5, s19  }
0xa2: {  	s8 =	simm.s32 $0x0;
	s20 =	sshll.u32 s6, $0x1;
	s6 =	sadd.s32 s21, s4  }
0xa3: {  	[timem:s8], [sflag:s22] =	dma.local [hbm:s6], s20  }
0xa4: {  	_ =	swait.ge [sflag:s22], s20  }
0xa5: {  	s5 =	ssub.s32 $0x0, s20;
	[sflag:s22] =	ssyncset.done $0x0  }
0xa6: {  	[sflag:s22] =	ssyncadd.s32 s5;
	_ =	sdelay $0x1  }
0xa7: {  	s23 =	simm.s32 $0x1B8B  }
0xa8: {  	_ =	swait.ge [sflag:s23], $0x1  }
0xa9: {  	[sflag:s23] =	ssyncset.done $0x0  }
0xaa: {  	s25 =	simm.s32 $0x1B8E;
	s24 =	sld [smem:$0x3FFE];
	[sflag:s23] =	ssyncadd.s32 $0xFFFFFFFF  }
0xab: {  	s26 =	simm.s32 $execute0_lowered;
	[smem:$0x3FD2] =	sst s25  }
0xac: {  	s6 =	sshll.u32 s26, $0x1;
	_ =	strace $0x80000046;
	[dreg:$0x1] =	wrdreg $0xFFFFFFFF  }
0xad: {  	s28 =	simm.s32 $_size_execute0_lowered;
	s4 =	sadd.s32 s4, s6;
	[dreg:$0x0] =	wrdreg $0x0  }
0xae: {  	s6 =	sshll.u32 s28, $0x1;
	[dreg:$0x2] =	wrdreg s4  }
0xaf: {  	[dreg:$0x3] =	wrdreg s6  }
0xb0: {  	[dreg:$0x4] =	wrdreg $0xC0  }
0xb1: {  	_ =	task [dreg:s8], $0x5FFFF  }
0xb2: {  	[dreg:$0x1] =	wrdreg $0xFFFFFFFF  }
0xb3: {  	[dreg:$0x0] =	wrdreg $0x60  }
0xb4: {  	[dreg:$0x2] =	wrdreg s17  }
0xb5: {  	[dreg:$0x3] =	wrdreg s24  }
0xb6: {  	[dreg:$0x4] =	wrdreg s16  }
0xb7: {  	[dreg:$0x5] =	wrdreg $0x9  }
0xb8: {  	_ =	task.clear_ibuf [dreg:s8], $0x6FFFF;
	_ =	strace $0x90000046  }
0xb9: {  	s29 =	simm.s32 $0x9;
	_ =	strace $0x80000048  }
0xba: {  	_ =	swait.ge [sflag:s29], $0x1  }
0xbb: {  	[sflag:s29] =	ssyncadd.s32 $0xFFFFFFFF  }
0xbc: {  	_ =	strace $0x90000048  }
0xbd: {  	_ =	sfence  }
0xbe: {  	s30 =	sld [smem:$0x0];
	_ =	sdelay $0x2  }
0xbf: {  	s31 =	sshll.u32 s1, $0xD;
	s1 =	sshrl.u32 s1, $0x2  }
0xc0: {  	s3 =	sand.u32 $0x4000, s31;
	s1 =	sadd.s32 s1, s30  }
0xc1: {  	s0 =	sor.u32 s3, s0;
	s1 =	sshll.u32 s1, $0x11  }
0xc2: {  	s0 =	sor.u32 s1, s0  }
0xc3: {  	s0 =	sadd.s32 $0x8F2B, s0  }
0xc4: {  	[sflag:s0] =	ssyncadd.remote.s32 $0x1  }
0xc5: {  	_ =	sfence.sel $0xFFFF  }
0xc6: {  	[dreg:$0x0] =	wrdreg $0xFFFFFFFF;
	(pc) =	sbr.abs _section_cstart, $3  }
0xc7: {  	[dreg:$0x1] =	wrdreg $0xFFFFFFFF  }
0xc8: {  	_ =	task.clear_ibuf [dreg:s8], $0x2FFFF;
	_ =	strace $0x9FFFFFFF  }
0xc9: {  	(tm) =	ssettm $0x7FFFFFFF  }
tec
execute0_lowered:
.L_overlay_start_1:
0x0: {  	(tag) =	ssettag $0x1  }
0x1: {  	s12 =	stileid.u32  }
0x2: {  	s11 =	smul.u32 $0xC0000, s12  }
0x3: {  	s4 =	smul.u32 $0x270000, s12  }
0x4: {  	s1 =	srdreg.scid;
	s9 =	smul.u32 $0x18000, s12  }
0x5: {  	s6 =	rddreg [dreg:$0x0];
	s5 =	sand.u32 $0x1, s1;
	s10 =	smul.u32 $0x4E000, s12  }
0x6: {  	s0 =	rddreg [dreg:$0x1];
	s3 =	simm.s32 $0x0;
	s2 =	smul.u32 $0x60000, s5  }
0x7: {  	[smem:$0x7FF] =	sst s3;
	s8 =	smul.u32 $0x138000, s5  }
0x8: {  	s1 =	sadd.s32 $0x82800, s0;
	_ =	strace $0x80000047;
	s13 =	smul.u32 $0xC000, s5  }
0x9: {  	s9 =	sadd.s32 s9, s1;
	s2 =	sadd.s32 s2, s11;
	s4 =	sadd.s32 s8, s4  }
0xa: {  	s11 =	smul.u32 $0x27000, s5;
	s15 =	sadd.s32 s13, s9;
	s7 =	sor.u32 $0x2E00, s2  }
0xb: {  	s14 =	sadd.s32 $0x9580, s4;
	s16 =	sor.u32 $0x2800, s2;
	[dreg:$0x6] =	wrdreg s15  }
0xc: {  	s19 =	sadd.s32 $0x8200, s4;
	s20 =	sor.u32 $0x7840, s4;
	s21 =	sor.u32 $0x2200, s2  }
0xd: {  	s25 =	sor.u32 $0x6E80, s4;
	s26 =	sor.u32 $0x64C0, s4;
	s28 =	sor.u32 $0x1C00, s2  }
0xe: {  	s9 =	sor.u32 $0x5B00, s4;
	s7 =	sshrl.u32 s7, $0x3;
	s17 =	sadd.s32 s11, s10  }
0xf: {  	s8 =	sshrl.u32 s16, $0x3;
	s22 =	sshrl.u32 s20, $0x3;
	s23 =	sshrl.u32 s21, $0x3  }
0x10: {  	s29 =	sshrl.u32 s26, $0x3;
	s31 =	sshrl.u32 s28, $0x3;
	[dreg:$0x7] =	wrdreg s17  }
0x11: {  	s10 =	sor.u32 $0x5140, s4;
	s16 =	sor.u32 $0x4780, s4;
	[dreg:$0xa] =	wrdreg s22  }
0x12: {  	s7 =	sadd.s32 s7, s1;
	s18 =	sadd.s32 s8, s1;
	[dreg:$0xd] =	wrdreg s29  }
0x13: {  	s24 =	sadd.s32 s23, s1;
	s8 =	sadd.s32 s31, s1;
	[dreg:$0x4] =	wrdreg s7  }
0x14: {  	s13 =	sshrl.u32 s10, $0x3;
	s17 =	sor.u32 $0x3DC0, s4;
	[dreg:$0x8] =	wrdreg s18  }
0x15: {  	s22 =	sor.u32 $0x3400, s4;
	s23 =	sor.u32 $0x2A40, s4;
	[dreg:$0xb] =	wrdreg s24  }
0x16: {  	s29 =	sor.u32 $0x2080, s4;
	s31 =	sor.u32 $0x16C0, s4;
	[dreg:$0xe] =	wrdreg s8  }
0x17: {  	s10 =	sor.u32 $0xD00, s4;
	s4 =	simm.s32 $0x7820;
	[dreg:$0x10] =	wrdreg s13  }
0x18: {  	s11 =	sor.u32 $0x1600, s2;
	s7 =	sshrl.u32 s14, $0x3;
	[smem:$0x7EA] =	sst s4  }
0x19: {  	s14 =	sshrl.u32 s11, $0x3;
	s11 =	sshrl.u32 s10, $0x3;
	[dreg:$0x5] =	wrdreg s7  }
0x1a: {  	s13 =	simm.s32 $0x80;
	[dreg:$0x1b] =	wrdreg s11  }
0x1b: {  	s8 =	simm.s32 $0x3620;
	[dreg:$0x1c] =	wrdreg s13  }
0x1c: {  	s7 =	sshrl.u32 s19, $0x3;
	[smem:$0x7EB] =	sst s8  }
0x1d: {  	s15 =	sadd.s32 s14, s1;
	[dreg:$0x9] =	wrdreg s7  }
0x1e: {  	s19 =	sshrl.u32 s17, $0x3;
	[dreg:$0x11] =	wrdreg s15  }
0x1f: {  	s18 =	sor.u32 $0x1000, s2;
	s14 =	simm.s32 $0x8A0;
	[dreg:$0x13] =	wrdreg s19  }
0x20: {  	s24 =	sor.u32 $0xA00, s2;
	s17 =	simm.s32 $0x6E20;
	[dreg:$0x1d] =	wrdreg s14  }
0x21: {  	s20 =	sshrl.u32 s18, $0x3;
	s18 =	simm.s32 $0x15A0;
	[smem:$0x7E0] =	sst s17  }
0x22: {  	s26 =	sshrl.u32 s24, $0x3;
	s24 =	simm.s32 $0x7420;
	[smem:$0x7E1] =	sst s18  }
0x23: {  	s11 =	simm.s32 $0x7A20;
	[smem:$0x7E6] =	sst s24  }
0x24: {  	s7 =	sshrl.u32 s25, $0x3;
	[smem:$0x7EC] =	sst s11  }
0x25: {  	s21 =	sadd.s32 s20, s1;
	[dreg:$0xc] =	wrdreg s7  }
0x26: {  	s2 =	sor.u32 $0x400, s2;
	s25 =	sshrl.u32 s23, $0x3;
	[dreg:$0x14] =	wrdreg s21  }
0x27: {  	s2 =	sshrl.u32 s2, $0x3;
	s28 =	sadd.s32 s26, s1;
	[dreg:$0x16] =	wrdreg s25  }
0x28: {  	s1 =	sadd.s32 s2, s1;
	[dreg:$0x17] =	wrdreg s28  }
0x29: {  	s15 =	simm.s32 $0x6C20;
	[dreg:$0x1a] =	wrdreg s1  }
0x2a: {  	s19 =	simm.s32 $0x7020;
	[dreg:$0x1e] =	wrdreg s15  }
0x2b: {  	s20 =	simm.s32 $0x1C20;
	[smem:$0x7E2] =	sst s19  }
0x2c: {  	s26 =	simm.s32 $0x7620;
	[smem:$0x7E3] =	sst s20  }
0x2d: {  	s14 =	simm.s32 $0x3CA0;
	[smem:$0x7E8] =	sst s26  }
0x2e: {  	s18 =	simm.s32 $0x7E20;
	[smem:$0x7ED] =	sst s14  }
0x2f: {  	s24 =	simm.s32 $0x56A0;
	[smem:$0x7F1] =	sst s18  }
0x30: {  	s7 =	sshrl.u32 s9, $0x3;
	[smem:$0x7F8] =	sst s24  }
0x31: {  	s9 =	sshrl.u32 s31, $0x3;
	[dreg:$0xf] =	wrdreg s7  }
0x32: {  	s21 =	simm.s32 $0x7220;
	[dreg:$0x19] =	wrdreg s9  }
0x33: {  	s25 =	simm.s32 $0x2920;
	[smem:$0x7E4] =	sst s21  }
0x34: {  	s15 =	simm.s32 $0x7C20;
	[smem:$0x7E7] =	sst s25  }
0x35: {  	s19 =	simm.s32 $0x49A0;
	[smem:$0x7EF] =	sst s15  }
0x36: {  	s23 =	sshll.u32 s12, $0xA;
	s20 =	simm.s32 $0x8020;
	[smem:$0x7F3] =	sst s19  }
0x37: {  	s2 =	sadd.s32 s23, s0;
	s23 =	simm.s32 $0x8220;
	[smem:$0x7F4] =	sst s20  }
0x38: {  	s30 =	simm.s32 $0x3;
	s26 =	simm.s32 $0x5D20;
	[smem:$0x7F7] =	sst s23  }
0x39: {  	s10 =	sshll.u32 s5, $0x9;
	s7 =	sshrl.u32 s16, $0x3;
	[smem:$0x7FA] =	sst s26  }
0x3a: {  	s13 =	smul.u32 $0x6800, s12;
	s16 =	simm.s32 $0xF20;
	[dreg:$0x12] =	wrdreg s7  }
0x3b: {  	s11 =	simm.s32 $0x4;
	s25 =	simm.s32 $0x8420;
	[dreg:$0x1f] =	wrdreg s16  }
0x3c: {  	s12 =	simm.s32 $0x1A0;
	s7 =	sshrl.u32 s22, $0x3;
	[smem:$0x7F9] =	sst s25  }
0x3d: {  	s28 =	ssub.s32 $0x2, s5;
	s22 =	simm.s32 $0x22A0;
	[dreg:$0x15] =	wrdreg s7  }
0x3e: {  	s31 =	sshrl.u32 s28, $0x1;
	s16 =	simm.s32 $0x4320;
	[smem:$0x7E5] =	sst s22  }
0x3f: {  	s1 =	ssub.s32 s28, s31;
	s28 =	simm.s32 $0x8620;
	[smem:$0x7F0] =	sst s16  }
0x40: {  	s5 =	smul.u32 $0x3400, s5;
	s31 =	simm.s32 $0x8820;
	[smem:$0x7FB] =	sst s28  }
0x41: {  	s14 =	simm.s32 $0x1;
	s7 =	sshrl.u32 s29, $0x3;
	[smem:$0x7FD] =	sst s31  }
0x42: {  	s9 =	sadd.s32 $0x6800, s0;
	s29 =	simm.s32 $0x2FA0;
	[dreg:$0x18] =	wrdreg s7  }
0x43: {  	s21 =	sadd.s32 s10, s2;
	s1 =	smax.u32 s1, $0x1;
	[smem:$0x7E9] =	sst s29  }
0x44: {  	s17 =	sadd.s32 s5, s13;
	s22 =	simm.s32 $0x5020;
	[smem:$0x7EE] =	sst s1  }
0x45: {  	s1 =	sshrl.u32 s17, $0x3;
	[smem:$0x7F6] =	sst s22;
	s29 =	simm.s32 $0x63A0  }
0x46: {  	s13 =	simm.s32 $0x6A20;
	s1 =	sadd.s32 s1, s6;
	[smem:$0x7FC] =	sst s29  }
0x47: {  	s16 =	simm.s32 $0x2;
	[smem:$0x7F2] =	sst s1;
	s1 =	sadd.s32 $0x2800, s21  }
0x48: {  	s17 =	simm.s32 $0x220;
	[smem:$0x7F5] =	sst s1;
	s1 =	simm.s32 $0x0  }
.LBB2_1:
0x49: {  	s4 =	sld [smem:$0x7F2];
	_ =	sdelay $0x1  }
0x4a: {  	[smem:$0x7DE] =	sst s1  }
0x4b: {  	[tilespmem:s3], [sflag:$0x4] =	stream.linear.gather [hbm4b:s4+s3], $0x1A0, $0x38;
	[tilespmem:$0x8A20] =	vst v63  }
0x4c: {  	_ =	swait.ge [sflag:s11], $0x1A0  }
0x4d: {  	s8 =	sld [smem:$0x7F5]  }
0x4e: {  	[sflag:s11] =	ssyncset.done $0x0  }
0x4f: {  	[sflag:s11] =	ssyncadd.s32 $0xFFFFFE60  }
0x50: {  	[tilespmem:s12], [sflag:$0x4] =	stream.linear.gather [hbm4b:s8+s3], $0x80, $0x38;
	[tilespmem:$0x8A20] =	vst v63  }
0x51: {  	_ =	swait.ge [sflag:s11], $0x80  }
0x52: {  	[sflag:s11] =	ssyncset.done $0x0  }
0x53: {  	[sflag:s11] =	ssyncadd.s32 $0xFFFFFF80  }
0x54: {  	[tilespmem:s17], [sflag:$0x1] =	stream.indirect.gather [hbm4b:s9+s12], $0x40, s3, s12, $0xb8;
	[tilespmem:$0x8A20] =	vst v63  }
0x55: {  	s0 =	rddreg [dreg:$0x1c]  }
0x56: {  	[tilespmem:s13], [sflag:$0x2] =	stream.indirect.gather [hbm4b:s9+s0], $0x40, s12, s0, $0xb8;
	[tilespmem:$0x8A20] =	vst v63  }
0x57: {  	_ =	swait.ge [sflag:s14], $0x6800  }
0x58: {  	[sflag:s14] =	ssyncset.done $0x0  }
0x59: {  	[sflag:s14] =	ssyncadd.s32 $0xFFFF9800  }
0x5a: {  	_ =	swait.ge [sflag:s16], $0x2000  }
0x5b: {  	s31 =	sld [smem:$0x7FC]  }
0x5c: {  	s25 =	sld [smem:$0x7F9]  }
0x5d: {  	s18 =	sld [smem:$0x7F8]  }
0x5e: {  	s20 =	sld [smem:$0x7F6]  }
0x5f: {  	s0 =	sld [smem:$0x7F0]  }
0x60: {  	s1 =	sld [smem:$0x7EF]  }
0x61: {  	s2 =	sld [smem:$0x7ED]  }
0x62: {  	s5 =	sld [smem:$0x7EB]  }
0x63: {  	s6 =	rddreg [dreg:$0x7]  }
0x64: {  	s7 =	rddreg [dreg:$0x6]  }
0x65: {  	s10 =	sld [smem:$0x7EA]  }
0x66: {  	s15 =	rddreg [dreg:$0x1d]  }
0x67: {  	s26 =	rddreg [dreg:$0x1b]  }
0x68: {  	s23 =	rddreg [dreg:$0x1a]  }
0x69: {  	[sflag:s16] =	ssyncset.done $0x0;
	s24 =	rddreg [dreg:$0x19]  }
0x6a: {  	s29 =	sld [smem:$0x7F4];
	[sflag:s16] =	ssyncadd.s32 $0xFFFFE000  }
0x6b: {  	s21 =	rddreg [dreg:$0x2]  }
0x6c: {  	s22 =	sadd.s32 $0x0, s7;
	[smem:$0x7DF] =	sst s25;
	s28 =	sadd.s32 s21, s6  }
0x6d: {  	s7 =	sadd.s32 s21, s26;
	s26 =	rddreg [dreg:$0x1f];
	s6 =	sadd.s32 $0x68, s28  }
0x6e: {  	[hbm4b:s6+s3] =	stream.linear.scatter [tilespmem:s17], [sflag:$0x3], $0x680, $0x38;
	[tilespmem:$0x8A20] =	vst v63  }
0x6f: {  	s19 =	sadd.s32 $0x20, s22;
	s6 =	rddreg [dreg:$0x1e]  }
0x70: {  	[hbm4b:s19+s3] =	stream.linear.scatter [tilespmem:s13], [sflag:$0x3], $0x200, $0x38;
	[tilespmem:$0x8A20] =	vst v63  }
0x71: {  	s13 =	sld [smem:$0x7E0]  }
0x72: {  	[hbm4b:s7+s3] =	stream.linear.scatter [tilespmem:s15], [sflag:$0x3], $0x680, $0x38;
	[tilespmem:$0x8A20] =	vst v63  }
0x73: {  	s25 =	sadd.s32 $0x0, s23;
	s7 =	sadd.s32 s21, s24;
	s24 =	sld [smem:$0x7E1]  }
0x74: {  	[hbm4b:s25+s3] =	stream.linear.scatter [tilespmem:s6], [sflag:$0x3], $0x200, $0x38;
	[tilespmem:$0x8A20] =	vst v63  }
0x75: {  	s6 =	rddreg [dreg:$0x18]  }
0x76: {  	s25 =	sld [smem:$0x7E2]  }
0x77: {  	[hbm4b:s7+s3] =	stream.linear.scatter [tilespmem:s26], [sflag:$0x3], $0x680, $0x38;
	[tilespmem:$0x8A20] =	vst v63  }
0x78: {  	s26 =	rddreg [dreg:$0x17]  }
0x79: {  	s7 =	sld [smem:$0x7E5]  }
0x7a: {  	s23 =	sadd.s32 $0xE0, s22;
	s15 =	sadd.s32 $0x0, s26;
	s26 =	rddreg [dreg:$0x15]  }
0x7b: {  	[hbm4b:s23+s3] =	stream.linear.scatter [tilespmem:s13], [sflag:$0x3], $0x200, $0x38;
	[tilespmem:$0x8A20] =	vst v63  }
0x7c: {  	s13 =	sld [smem:$0x7E3]  }
0x7d: {  	s6 =	sadd.s32 s21, s6;
	s23 =	rddreg [dreg:$0x16]  }
0x7e: {  	[hbm4b:s6+s3] =	stream.linear.scatter [tilespmem:s24], [sflag:$0x3], $0x680, $0x38;
	[tilespmem:$0x8A20] =	vst v63  }
0x7f: {  	s24 =	sadd.s32 s21, s23;
	s23 =	sld [smem:$0x7E6]  }
0x80: {  	s6 =	sadd.s32 s21, s26;
	s26 =	rddreg [dreg:$0x13]  }
0x81: {  	[hbm4b:s15+s3] =	stream.linear.scatter [tilespmem:s25], [sflag:$0x3], $0x200, $0x38;
	[tilespmem:$0x8A20] =	vst v63  }
0x82: {  	s25 =	sld [smem:$0x7E4]  }
0x83: {  	s15 =	sld [smem:$0x7E9]  }
0x84: {  	[hbm4b:s24+s3] =	stream.linear.scatter [tilespmem:s13], [sflag:$0x3], $0x680, $0x38;
	[tilespmem:$0x8A20] =	vst v63  }
0x85: {  	s13 =	sadd.s32 $0x1A0, s22;
	s24 =	rddreg [dreg:$0x14]  }
0x86: {  	[hbm4b:s13+s3] =	stream.linear.scatter [tilespmem:s25], [sflag:$0x3], $0x200, $0x38;
	[tilespmem:$0x8A20] =	vst v63  }
0x87: {  	s25 =	sld [smem:$0x7E7]  }
0x88: {  	s13 =	sld [smem:$0x7E8]  }
0x89: {  	[hbm4b:s6+s3] =	stream.linear.scatter [tilespmem:s7], [sflag:$0x3], $0x680, $0x38;
	[tilespmem:$0x8A20] =	vst v63  }
0x8a: {  	s19 =	sadd.s32 $0x0, s24;
	s7 =	sadd.s32 s21, s26;
	s26 =	rddreg [dreg:$0x10]  }
0x8b: {  	[hbm4b:s19+s3] =	stream.linear.scatter [tilespmem:s23], [sflag:$0x3], $0x200, $0x38;
	[tilespmem:$0x8A20] =	vst v63  }
0x8c: {  	s24 =	sadd.s32 $0x260, s22;
	s23 =	rddreg [dreg:$0x12]  }
0x8d: {  	[hbm4b:s7+s3] =	stream.linear.scatter [tilespmem:s25], [sflag:$0x3], $0x680, $0x38;
	[tilespmem:$0x8A20] =	vst v63  }
0x8e: {  	s6 =	sadd.s32 s21, s23;
	s23 =	sadd.s32 s21, s26;
	s26 =	rddreg [dreg:$0xe]  }
0x8f: {  	[hbm4b:s24+s3] =	stream.linear.scatter [tilespmem:s13], [sflag:$0x3], $0x200, $0x38;
	[tilespmem:$0x8A20] =	vst v63  }
0x90: {  	s25 =	rddreg [dreg:$0x11]  }
0x91: {  	[hbm4b:s6+s3] =	stream.linear.scatter [tilespmem:s15], [sflag:$0x3], $0x680, $0x38;
	[tilespmem:$0x8A20] =	vst v63  }
0x92: {  	s13 =	sadd.s32 $0x0, s25;
	s24 =	sld [smem:$0x7EC]  }
0x93: {  	[hbm4b:s13+s3] =	stream.linear.scatter [tilespmem:s10], [sflag:$0x3], $0x200, $0x38;
	[tilespmem:$0x8A20] =	vst v63  }
0x94: {  	s15 =	rddreg [dreg:$0xf]  }
0x95: {  	[hbm4b:s23+s3] =	stream.linear.scatter [tilespmem:s5], [sflag:$0x3], $0x680, $0x38;
	[tilespmem:$0x8A20] =	vst v63  }
0x96: {  	s25 =	sadd.s32 $0x320, s22;
	s7 =	sadd.s32 s21, s15;
	s15 =	rddreg [dreg:$0xc]  }
0x97: {  	[hbm4b:s25+s3] =	stream.linear.scatter [tilespmem:s24], [sflag:$0x3], $0x200, $0x38;
	[tilespmem:$0x8A20] =	vst v63  }
0x98: {  	s10 =	rddreg [dreg:$0xd]  }
0x99: {  	[hbm4b:s7+s3] =	stream.linear.scatter [tilespmem:s2], [sflag:$0x3], $0x680, $0x38;
	[tilespmem:$0x8A20] =	vst v63  }
0x9a: {  	s13 =	sadd.s32 $0x0, s26;
	s23 =	sld [smem:$0x7F1]  }
0x9b: {  	[hbm4b:s13+s3] =	stream.linear.scatter [tilespmem:s1], [sflag:$0x3], $0x200, $0x38;
	[tilespmem:$0x8A20] =	vst v63  }
0x9c: {  	s19 =	sadd.s32 s21, s10;
	s24 =	sld [smem:$0x7F3]  }
0x9d: {  	[hbm4b:s19+s3] =	stream.linear.scatter [tilespmem:s0], [sflag:$0x3], $0x680, $0x38;
	[tilespmem:$0x8A20] =	vst v63  }
0x9e: {  	s26 =	sadd.s32 s21, s15;
	s25 =	sadd.s32 $0x3E0, s22;
	s1 =	rddreg [dreg:$0xb]  }
0x9f: {  	[hbm4b:s25+s3] =	stream.linear.scatter [tilespmem:s23], [sflag:$0x3], $0x200, $0x38;
	[tilespmem:$0x8A20] =	vst v63  }
0xa0: {  	s0 =	rddreg [dreg:$0xa];
	s19 =	simm.s32 $0x0;
	s23 =	simm.s32 $0x600  }
0xa1: {  	[hbm4b:s26+s3] =	stream.linear.scatter [tilespmem:s24], [sflag:$0x3], $0x680, $0x38;
	[tilespmem:$0x8A20] =	vst v63  }
0xa2: {  	s25 =	sadd.s32 $0x34, s4;
	s24 =	sadd.s32 $0x10, s8;
	s26 =	smov.u32 s21  }
.LBB2_2:
0xa3: {  	s2 =	rddreg [dreg:$0x9]  }
0xa4: {  	s1 =	sadd.s32 s19, s1;
	s6 =	sld [smem:$0x7F7]  }
0xa5: {  	[hbm4b:s1+s3] =	stream.linear.scatter [tilespmem:s29], [sflag:$0x3], $0x200, $0x38;
	[tilespmem:$0x8A20] =	vst v63  }
0xa6: {  	s0 =	sadd.s32 s21, s0;
	s10 =	rddreg [dreg:$0x8]  }
0xa7: {  	[hbm4b:s0+s3] =	stream.linear.scatter [tilespmem:s20], [sflag:$0x3], $0x680, $0x38;
	[tilespmem:$0x8A20] =	vst v63  }
0xa8: {  	s8 =	sadd.s32 $0x4A0, s22;
	s15 =	rddreg [dreg:$0x5]  }
0xa9: {  	[hbm4b:s8+s3] =	stream.linear.scatter [tilespmem:s6], [sflag:$0x3], $0x200, $0x38;
	[tilespmem:$0x8A20] =	vst v63  }
0xaa: {  	s4 =	sld [smem:$0x7DF];
	s13 =	sadd.s32 s21, s2  }
0xab: {  	[hbm4b:s13+s3] =	stream.linear.scatter [tilespmem:s18], [sflag:$0x3], $0x680, $0x38;
	[tilespmem:$0x8A20] =	vst v63  }
0xac: {  	s0 =	sadd.s32 s19, s10;
	s20 =	sld [smem:$0x7FA]  }
0xad: {  	[hbm4b:s0+s3] =	stream.linear.scatter [tilespmem:s4], [sflag:$0x3], $0x200, $0x38;
	[tilespmem:$0x8A20] =	vst v63  }
0xae: {  	s7 =	sld [smem:$0x7FB];
	s18 =	sadd.s32 $0x1178, s28  }
0xaf: {  	[hbm4b:s18+s3] =	stream.linear.scatter [tilespmem:s20], [sflag:$0x3], $0x680, $0x38;
	[tilespmem:$0x8A20] =	vst v63  }
0xb0: {  	s22 =	sadd.s32 $0x560, s22;
	s4 =	rddreg [dreg:$0x4]  }
0xb1: {  	[hbm4b:s22+s3] =	stream.linear.scatter [tilespmem:s7], [sflag:$0x3], $0x200, $0x38;
	[tilespmem:$0x8A20] =	vst v63  }
0xb2: {  	s6 =	sadd.s32 s21, s15;
	s7 =	sld [smem:$0x7FD]  }
0xb3: {  	[hbm4b:s6+s3] =	stream.linear.scatter [tilespmem:s31], [sflag:$0x3], $0x680, $0x38;
	[tilespmem:$0x8A20] =	vst v63  }
0xb4: {  	s8 =	sadd.s32 s19, s4  }
0xb5: {  	[hbm4b:s8+s3] =	stream.linear.scatter [tilespmem:s7], [sflag:$0x3], $0x200, $0x38;
	[tilespmem:$0x8A20] =	vst v63  }
0xb6: {  	_ =	swait.ge [sflag:s30], $0x1100  }
0xb7: {  	[sflag:s30] =	ssyncset.done $0x0  }
0xb8: {  	[sflag:s30] =	ssyncadd.s32 $0xFFFFEF00  }
0xb9: {  	[tilespmem:s3], [sflag:$0x4] =	stream.linear.gather [hbm4b:s25+s3], $0x1A0, $0x38;
	[tilespmem:$0x8A20] =	vst v63  }
0xba: {  	_ =	swait.ge [sflag:s11], $0x1A0  }
0xbb: {  	[sflag:s11] =	ssyncset.done $0x0  }
0xbc: {  	[sflag:s11] =	ssyncadd.s32 $0xFFFFFE60  }
0xbd: {  	[tilespmem:s12], [sflag:$0x4] =	stream.linear.gather [hbm4b:s24+s3], $0x80, $0x38;
	[tilespmem:$0x8A20] =	vst v63  }
0xbe: {  	_ =	swait.ge [sflag:s11], $0x80  }
0xbf: {  	[sflag:s11] =	ssyncset.done $0x0  }
0xc0: {  	[sflag:s11] =	ssyncadd.s32 $0xFFFFFF80  }
0xc1: {  	[tilespmem:s17], [sflag:$0x1] =	stream.indirect.gather [hbm4b:s9+s12], $0x40, s3, s12, $0xb8;
	[tilespmem:$0x8A20] =	vst v63  }
0xc2: {  	s1 =	simm.s32 $0x6A20;
	s10 =	rddreg [dreg:$0x1c]  }
0xc3: {  	[tilespmem:s1], [sflag:$0x2] =	stream.indirect.gather [hbm4b:s9+s10], $0x40, s12, s10, $0xb8;
	[tilespmem:$0x8A20] =	vst v63  }
0xc4: {  	_ =	swait.ge [sflag:s14], $0x6800  }
0xc5: {  	[sflag:s14] =	ssyncset.done $0x0  }
0xc6: {  	[sflag:s14] =	ssyncadd.s32 $0xFFFF9800  }
0xc7: {  	_ =	swait.ge [sflag:s16], $0x2000  }
0xc8: {  	s12 =	sld [smem:$0x7FC]  }
0xc9: {  	s13 =	sld [smem:$0x7F9]  }
0xca: {  	s18 =	sld [smem:$0x7F8]  }
0xcb: {  	s20 =	sld [smem:$0x7F6]  }
0xcc: {  	s29 =	sld [smem:$0x7F4]  }
0xcd: {  	s14 =	sld [smem:$0x7F3]  }
0xce: {  	s15 =	sld [smem:$0x7F0]  }
0xcf: {  	s31 =	sld [smem:$0x7EF]  }
0xd0: {  	s5 =	smov.u32 s23;
	s0 =	sld [smem:$0x7ED]  }
0xd1: {  	s19 =	smov.u32 s5;
	s5 =	sld [smem:$0x7EB]  }
0xd2: {  	s6 =	sld [smem:$0x7EA]  }
0xd3: {  	s7 =	sld [smem:$0x7E9]  }
0xd4: {  	s2 =	sld [smem:$0x7E7]  }
0xd5: {  	s10 =	sld [smem:$0x7E5]  }
0xd6: {  	s11 =	sld [smem:$0x7E3]  }
0xd7: {  	s30 =	smov.u32 s9;
	s9 =	sld [smem:$0x7E2]  }
0xd8: {  	s28 =	rddreg [dreg:$0x7]  }
0xd9: {  	[sflag:s16] =	ssyncset.done $0x0;
	s4 =	rddreg [dreg:$0x1e]  }
0xda: {  	[sflag:s16] =	ssyncadd.s32 $0xFFFFE000;
	s16 =	rddreg [dreg:$0x6]  }
0xdb: {  	s22 =	sadd.s32 s19, s16;
	s16 =	rddreg [dreg:$0x1b]  }
0xdc: {  	[smem:$0x7DC] =	sst s12  }
0xdd: {  	[smem:$0x7DF] =	sst s13  }
0xde: {  	[smem:$0x7DD] =	sst s14  }
0xdf: {  	[smem:$0x7DB] =	sst s15  }
0xe0: {  	s15 =	sld [smem:$0x7E6]  }
0xe1: {  	s26 =	sadd.s32 $0x1380, s26;
	s12 =	rddreg [dreg:$0x17]  }
0xe2: {  	s28 =	sadd.s32 s26, s28;
	s13 =	rddreg [dreg:$0x1d]  }
0xe3: {  	s8 =	sadd.s32 $0x68, s28;
	s14 =	rddreg [dreg:$0x18]  }
0xe4: {  	[hbm4b:s8+s3] =	stream.linear.scatter [tilespmem:s17], [sflag:$0x3], $0x680, $0x38;
	[tilespmem:$0x8A20] =	vst v63  }
0xe5: {  	s8 =	sadd.s32 $0x20, s22;
	s17 =	rddreg [dreg:$0x1a]  }
0xe6: {  	[hbm4b:s8+s3] =	stream.linear.scatter [tilespmem:s1], [sflag:$0x3], $0x200, $0x38;
	[tilespmem:$0x8A20] =	vst v63  }
0xe7: {  	s1 =	sadd.s32 s26, s16;
	s16 =	rddreg [dreg:$0x19]  }
0xe8: {  	[hbm4b:s1+s3] =	stream.linear.scatter [tilespmem:s13], [sflag:$0x3], $0x680, $0x38;
	[tilespmem:$0x8A20] =	vst v63  }
0xe9: {  	s8 =	sld [smem:$0x7E0];
	s1 =	sadd.s32 s19, s17  }
0xea: {  	[hbm4b:s1+s3] =	stream.linear.scatter [tilespmem:s4], [sflag:$0x3], $0x200, $0x38;
	[tilespmem:$0x8A20] =	vst v63  }
0xeb: {  	s13 =	rddreg [dreg:$0x1f];
	s1 =	sadd.s32 s26, s16  }
0xec: {  	[hbm4b:s1+s3] =	stream.linear.scatter [tilespmem:s13], [sflag:$0x3], $0x680, $0x38;
	[tilespmem:$0x8A20] =	vst v63  }
0xed: {  	s1 =	sadd.s32 $0xE0, s22;
	s13 =	sld [smem:$0x7E1]  }
0xee: {  	[hbm4b:s1+s3] =	stream.linear.scatter [tilespmem:s8], [sflag:$0x3], $0x200, $0x38;
	[tilespmem:$0x8A20] =	vst v63  }
0xef: {  	s1 =	sadd.s32 s26, s14;
	s8 =	rddreg [dreg:$0x16]  }
0xf0: {  	[hbm4b:s1+s3] =	stream.linear.scatter [tilespmem:s13], [sflag:$0x3], $0x680, $0x38;
	[tilespmem:$0x8A20] =	vst v63  }
0xf1: {  	s1 =	sadd.s32 s19, s12;
	s12 =	rddreg [dreg:$0x15]  }
0xf2: {  	[hbm4b:s1+s3] =	stream.linear.scatter [tilespmem:s9], [sflag:$0x3], $0x200, $0x38;
	[tilespmem:$0x8A20] =	vst v63  }
0xf3: {  	s8 =	sadd.s32 s26, s8;
	s9 =	sld [smem:$0x7E4]  }
0xf4: {  	[hbm4b:s8+s3] =	stream.linear.scatter [tilespmem:s11], [sflag:$0x3], $0x680, $0x38;
	[tilespmem:$0x8A20] =	vst v63  }
0xf5: {  	s13 =	sadd.s32 $0x1A0, s22;
	s1 =	rddreg [dreg:$0x14]  }
0xf6: {  	[hbm4b:s13+s3] =	stream.linear.scatter [tilespmem:s9], [sflag:$0x3], $0x200, $0x38;
	[tilespmem:$0x8A20] =	vst v63  }
0xf7: {  	s8 =	sadd.s32 s26, s12;
	s13 =	rddreg [dreg:$0x13]  }
0xf8: {  	[hbm4b:s8+s3] =	stream.linear.scatter [tilespmem:s10], [sflag:$0x3], $0x680, $0x38;
	[tilespmem:$0x8A20] =	vst v63  }
0xf9: {  	s1 =	sadd.s32 s19, s1;
	s9 =	rddreg [dreg:$0x12]  }
0xfa: {  	[hbm4b:s1+s3] =	stream.linear.scatter [tilespmem:s15], [sflag:$0x3], $0x200, $0x38;
	[tilespmem:$0x8A20] =	vst v63  }
0xfb: {  	s10 =	sadd.s32 s26, s13;
	s13 =	sld [smem:$0x7E8]  }
0xfc: {  	[hbm4b:s10+s3] =	stream.linear.scatter [tilespmem:s2], [sflag:$0x3], $0x680, $0x38;
	[tilespmem:$0x8A20] =	vst v63  }
0xfd: {  	s15 =	sadd.s32 $0x260, s22;
	s1 =	rddreg [dreg:$0x11]  }
0xfe: {  	[hbm4b:s15+s3] =	stream.linear.scatter [tilespmem:s13], [sflag:$0x3], $0x200, $0x38;
	[tilespmem:$0x8A20] =	vst v63  }
0xff: {  	s13 =	rddreg [dreg:$0x10]  }
0x100: {  	p0 =	sne.s32 s23, $0xBA00;
	s15 =	sadd.s32 s19, s1;
	s1 =	rddreg [dreg:$0xf]  }
0x101: {  	s10 =	sadd.s32 s26, s9;
	s8 =	sadd.s32 s26, s13;
	s13 =	sld [smem:$0x7EC]  }
0x102: {  	[hbm4b:s10+s3] =	stream.linear.scatter [tilespmem:s7], [sflag:$0x3], $0x680, $0x38;
	[tilespmem:$0x8A20] =	vst v63  }
0x103: {  	s23 =	sadd.s32 $0x600, s23;
	s4 =	sadd.s32 s26, s1;
	s1 =	rddreg [dreg:$0xd]  }
0x104: {  	[hbm4b:s15+s3] =	stream.linear.scatter [tilespmem:s6], [sflag:$0x3], $0x200, $0x38;
	[tilespmem:$0x8A20] =	vst v63  }
0x105: {  	s21 =	smov.u32 s26;
	s7 =	sadd.s32 s26, s1;
	s1 =	rddreg [dreg:$0xb]  }
0x106: {  	[hbm4b:s8+s3] =	stream.linear.scatter [tilespmem:s5], [sflag:$0x3], $0x680, $0x38;
	[tilespmem:$0x8A20] =	vst v63  }
0x107: {  	s25 =	sadd.s32 $0x34, s25;
	s10 =	sadd.s32 $0x320, s22;
	s15 =	rddreg [dreg:$0xe]  }
0x108: {  	[hbm4b:s10+s3] =	stream.linear.scatter [tilespmem:s13], [sflag:$0x3], $0x200, $0x38;
	[tilespmem:$0x8A20] =	vst v63  }
0x109: {  	s24 =	sadd.s32 $0x10, s24;
	s17 =	simm.s32 $0x220;
	s6 =	rddreg [dreg:$0xc]  }
0x10a: {  	[hbm4b:s4+s3] =	stream.linear.scatter [tilespmem:s0], [sflag:$0x3], $0x680, $0x38;
	[tilespmem:$0x8A20] =	vst v63  }
0x10b: {  	s16 =	simm.s32 $0x2;
	s13 =	sld [smem:$0x7DB];
	s4 =	sadd.s32 s19, s15  }
0x10c: {  	[hbm4b:s4+s3] =	stream.linear.scatter [tilespmem:s31], [sflag:$0x3], $0x200, $0x38;
	[tilespmem:$0x8A20] =	vst v63  }
0x10d: {  	s14 =	simm.s32 $0x1;
	s11 =	simm.s32 $0x4;
	s10 =	sld [smem:$0x7F1]  }
0x10e: {  	[hbm4b:s7+s3] =	stream.linear.scatter [tilespmem:s13], [sflag:$0x3], $0x680, $0x38;
	[tilespmem:$0x8A20] =	vst v63  }
.Ltmp0:
0x10f: {  	s12 =	simm.s32 $0x1A0;
	s0 =	rddreg [dreg:$0xa];
	(pc) =	sbr.rel @p0 .LBB2_2-.Ltmp0, $4  }
0x110: {  	s9 =	smov.u32 s30;
	s8 =	sadd.s32 $0x3E0, s22;
	s15 =	sld [smem:$0x7DD]  }
0x111: {  	[hbm4b:s8+s3] =	stream.linear.scatter [tilespmem:s10], [sflag:$0x3], $0x200, $0x38;
	[tilespmem:$0x8A20] =	vst v63  }
0x112: {  	s30 =	simm.s32 $0x3;
	s2 =	sadd.s32 s26, s6;
	s31 =	sld [smem:$0x7DC]  }
0x113: {  	[hbm4b:s2+s3] =	stream.linear.scatter [tilespmem:s15], [sflag:$0x3], $0x680, $0x38;
	[tilespmem:$0x8A20] =	vst v63  }
0x114: {  	s2 =	rddreg [dreg:$0x9]  }
0x115: {  	s1 =	sadd.s32 s19, s1;
	s5 =	sld [smem:$0x7F7]  }
0x116: {  	[hbm4b:s1+s3] =	stream.linear.scatter [tilespmem:s29], [sflag:$0x3], $0x200, $0x38;
	[tilespmem:$0x8A20] =	vst v63  }
0x117: {  	s0 =	sadd.s32 s21, s0;
	s4 =	rddreg [dreg:$0x8]  }
0x118: {  	[hbm4b:s0+s3] =	stream.linear.scatter [tilespmem:s20], [sflag:$0x3], $0x680, $0x38;
	[tilespmem:$0x8A20] =	vst v63  }
0x119: {  	s6 =	sadd.s32 $0x4A0, s22;
	s8 =	rddreg [dreg:$0x5]  }
0x11a: {  	[hbm4b:s6+s3] =	stream.linear.scatter [tilespmem:s5], [sflag:$0x3], $0x200, $0x38;
	[tilespmem:$0x8A20] =	vst v63  }
0x11b: {  	s15 =	sld [smem:$0x7DF];
	s7 =	sadd.s32 s21, s2  }
0x11c: {  	[hbm4b:s7+s3] =	stream.linear.scatter [tilespmem:s18], [sflag:$0x3], $0x680, $0x38;
	[tilespmem:$0x8A20] =	vst v63  }
0x11d: {  	s13 =	sld [smem:$0x7FA];
	s10 =	sadd.s32 s19, s4  }
0x11e: {  	[hbm4b:s10+s3] =	stream.linear.scatter [tilespmem:s15], [sflag:$0x3], $0x200, $0x38;
	[tilespmem:$0x8A20] =	vst v63  }
0x11f: {  	s20 =	sld [smem:$0x7FB];
	s18 =	sadd.s32 $0x1178, s28  }
0x120: {  	[hbm4b:s18+s3] =	stream.linear.scatter [tilespmem:s13], [sflag:$0x3], $0x680, $0x38;
	[tilespmem:$0x8A20] =	vst v63  }
0x121: {  	s23 =	sadd.s32 $0x560, s22;
	s24 =	rddreg [dreg:$0x4]  }
0x122: {  	[hbm4b:s23+s3] =	stream.linear.scatter [tilespmem:s20], [sflag:$0x3], $0x200, $0x38;
	[tilespmem:$0x8A20] =	vst v63  }
0x123: {  	s26 =	sld [smem:$0x7FD];
	s25 =	sadd.s32 s21, s8  }
0x124: {  	[hbm4b:s25+s3] =	stream.linear.scatter [tilespmem:s31], [sflag:$0x3], $0x680, $0x38;
	[tilespmem:$0x8A20] =	vst v63  }
0x125: {  	s28 =	sadd.s32 s19, s24  }
0x126: {  	[hbm4b:s28+s3] =	stream.linear.scatter [tilespmem:s26], [sflag:$0x3], $0x200, $0x38;
	[tilespmem:$0x8A20] =	vst v63  }
0x127: {  	_ =	swait.ge [sflag:s30], $0x1100  }
0x128: {  	s29 =	sld [smem:$0x7DE]  }
0x129: {  	s31 =	sld [smem:$0x7EE];
	_ =	sdelay $0x1  }
0x12a: {  	s1 =	sadd.s32 $0x1, s29  }
0x12b: {  	p0 =	sne.s32 s1, s31  }
.Ltmp1:
0x12c: {  	_ = 	snop;
	(pc) =	sbr.rel @p0 .LBB2_1-.Ltmp1, $3  }
0x12d: {  	_ =	sdelay $0x1  }
0x12e: {  	[sflag:s30] =	ssyncset.done $0x0  }
0x12f: {  	s13 =	simm.s32 $0x6A20;
	[sflag:s30] =	ssyncadd.s32 $0xFFFFEF00  }
0x130: {  	_ =	sfence.sel $0x180000  }
0x131: {  	[bflag:$0x0] =	sbarrier.arrive $0xFFFF  }
0x132: {  	_ =	strace $0x90000047  }
0x133: {  	s0 =	stileid.u32;
	[bflag:$0x2] =	sbarrier.arrive $0xFFFF  }
0x134: {  	p0 =	sne.s32 s0, $0x0;
	s0 =	rddreg [dreg:$0x3]  }
0x135: {  	s0 =	sadd.s32 @!p0 $0x100000, s0  }
0x136: {  	[sflag:s0] =	ssyncadd.tile.s32 @!p0 $0x1;
	_ =	shalt  }
.Lfunc_end2:
_tile_overlayer_lowered:
.L_overlay_start_2:
0x137: {  	(tag) =	ssettag $0x2  }
0x138: {  	s0 =	rddreg [dreg:$0x0];
	s2 =	stileid.u32  }
0x139: {  	s1 =	rddreg [dreg:$0x1];
	p0 =	sne.s32 s2, $0x0  }
0x13a: {  	s3 =	rddreg [dreg:$0x2];
	[bflag:$0x3] =	sbarrier.arrive $0xFFFF;
	s2 =	simm.s32 @!p0 $0x1C04  }
0x13b: {  	[timem:s3], [sflag:s2] =	dma.local @!p0 [hbm:s0], s1  }
0x13c: {  	s0 =	simm.s32 @!p0 $0x4  }
0x13d: {  	_ =	swait.ge @!p0 [sflag:s0], s1  }
0x13e: {  	s1 =	ssub.s32 @!p0 $0x0, s1;
	[sflag:s0] =	ssyncset.done @!p0 $0x0  }
0x13f: {  	[sflag:s0] =	ssyncadd.s32 @!p0 s1  }
0x140: {  	[bflag:$0x3] =	sbarrier.arrive $0xFFFF  }
0x141: {  	_ =	shalt  }

// kernel: sparse-core-data-format-call.1.cloned.1.call-start
scs
called_computation.1_lowered:
.L_overlay_start_0:
0x0: {  	s2 =	sld [smem:$0x3FD9]  }
0x1: {  	s3 =	sld [smem:$0x3FFE];
	_ =	sdelay $0x1  }
0x2: {  	s1 =	srdreg.scid  }
0x3: {  	s0 =	sand.u32 $0x1, s1  }
0x4: {  	s16 =	sshll.u32 s0, $0xA;
	s2 =	sadd.s32 s3, s2  }
0x5: {  	s2 =	sadd.s32 s2, s16  }
0x6: {  	[smem:$0x3FC0] =	sst s2  }
0x7: {  	_ = 	snop  }
0x8: {  	s2 =	sld [smem:$0x3FD0];
	_ =	sdelay $0x2  }
0x9: {  	s17 =	simm.s32 $0xB;
	s4 =	simm.s32 $0x10  }
0xa: {  	[smem:s4], [sflag:s17] =	dma.local [hbm:s2], $0x1  }
0xb: {  	_ =	swait.eq [sflag:s17], $0x1  }
0xc: {  	[sflag:s17] =	ssyncset.done $0x0  }
0xd: {  	[sflag:s17] =	ssyncadd.s32 $0xFFFFFFFF  }
0xe: {  	s18 =	sld [smem:$0x10];
	(tm) =	ssettm $0x1  }
0xf: {  	s19 =	sld [smem:$0x3FFB];
	_ =	sdelay $0x3  }
0x10: {  	_ =	strace s19  }
0x11: {  	s2 =	sld [smem:$0x3FFC];
	_ =	sdelay $0x3  }
0x12: {  	_ =	strace s2  }
0x13: {  	s2 =	sld [smem:$0x3FFD];
	_ =	sdelay $0x3  }
0x14: {  	_ =	strace s2  }
0x15: {  	_ =	strace $0x8FFFFFFF  }
0x16: {  	s20 =	sld [smem:$0x3FDB];
	_ =	sdelay $0x1  }
0x17: {  	s21 =	simm.s32 $_scs_section_size  }
0x18: {  	s5 =	simm.s32 $_size__tile_overlayer_lowered;
	s6 =	simm.s32 $_tile_overlayer_lowered  }
0x19: {  	s7 =	simm.s32 $0x1BFF;
	s22 =	sshll.u32 s6, $0x1;
	s4 =	sadd.s32 s21, s20  }
0x1a: {  	s23 =	simm.s32 $0x0;
	s5 =	sshll.u32 s5, $0x1;
	s6 =	sadd.s32 s22, s4  }
0x1b: {  	[timem:s23], [sflag:s7] =	dma.local [hbm:s6], s5  }
0x1c: {  	_ =	swait.ge [sflag:s7], s5  }
0x1d: {  	s5 =	ssub.s32 $0x0, s5;
	[sflag:s7] =	ssyncset.done $0x0  }
0x1e: {  	[sflag:s7] =	ssyncadd.s32 s5;
	_ =	sdelay $0x1  }
0x1f: {  	s24 =	simm.s32 $0x1B8B  }
0x20: {  	_ =	swait.ge [sflag:s24], $0x1  }
0x21: {  	[sflag:s24] =	ssyncset.done $0x0  }
0x22: {  	[sflag:s24] =	ssyncadd.s32 $0xFFFFFFFF  }
0x23: {  	s5 =	sld [smem:$0x0]  }
0x24: {  	s6 =	sand.u32 $0xFFFFFFFE, s1  }
0x25: {  	p0 =	sne.s32 s1, s6  }
0x26: {  	s6 =	sshll.u32 @p0 s6, $0xE  }
0x27: {  	s6 =	sadd.s32 @p0 $0x11B8D, s6;
	s7 =	sshll.u32 @p0 s5, $0x11  }
0x28: {  	s6 =	sor.u32 @p0 s7, s6  }
0x29: {  	[sflag:s6] =	ssyncadd.remote.s32 @p0 $0x1;
	_ =	sdelay $0x1  }
0x2a: {  	s6 =	simm.s32 @p0 $0x1B8D  }
0x2b: {  	_ =	swait.eq @p0 [sflag:s6], $0x1  }
0x2c: {  	[sflag:s6] =	ssyncadd.s32 @p0 $0xFFFFFFFF  }
0x2d: {  	s7 =	sshll.u32 @!p0 s1, $0xE  }
0x2e: {  	s7 =	sor.u32 @!p0 $0x4000, s7;
	s6 =	simm.s32 @!p0 $0x1B8D  }
0x2f: {  	s5 =	sshll.u32 @!p0 s5, $0x11;
	s7 =	sadd.s32 @!p0 $0x11B8D, s7;
	_ =	swait.eq @!p0 [sflag:s6], $0x1  }
0x30: {  	s5 =	sor.u32 @!p0 s5, s7;
	[sflag:s6] =	ssyncadd.s32 @!p0 $0xFFFFFFFF  }
0x31: {  	s26 =	simm.s32 $0x1B8E;
	s25 =	sld [smem:$0x3FFE];
	[sflag:s5] =	ssyncadd.remote.s32 @!p0 $0x1  }
0x32: {  	s27 =	simm.s32 $execute0_lowered;
	[smem:$0x3FD2] =	sst s26  }
0x33: {  	s6 =	sshll.u32 s27, $0x1;
	_ =	strace $0x8000004C;
	[dreg:$0x1] =	wrdreg $0xFFFFFFFF  }
0x34: {  	s28 =	simm.s32 $_size_execute0_lowered;
	s4 =	sadd.s32 s4, s6;
	[dreg:$0x0] =	wrdreg $0x0  }
0x35: {  	s6 =	sshll.u32 s28, $0x1;
	[dreg:$0x2] =	wrdreg s4  }
0x36: {  	[dreg:$0x3] =	wrdreg s6  }
0x37: {  	[dreg:$0x4] =	wrdreg $0xC0  }
0x38: {  	_ =	task [dreg:s23], $0x5FFFF  }
0x39: {  	[dreg:$0x1] =	wrdreg $0xFFFFFFFF  }
0x3a: {  	[dreg:$0x0] =	wrdreg $0x60  }
0x3b: {  	[dreg:$0x2] =	wrdreg s25  }
0x3c: {  	[dreg:$0x3] =	wrdreg s18  }
0x3d: {  	[dreg:$0x4] =	wrdreg $0xA  }
0x3e: {  	_ =	task.clear_ibuf [dreg:s23], $0x5FFFF;
	_ =	strace $0x9000004C  }
0x3f: {  	s29 =	simm.s32 $0xA;
	_ =	strace $0x8000004E  }
0x40: {  	_ =	swait.ge [sflag:s29], $0x1  }
0x41: {  	[sflag:s29] =	ssyncadd.s32 $0xFFFFFFFF  }
0x42: {  	_ =	strace $0x9000004E  }
0x43: {  	_ =	sfence  }
0x44: {  	s30 =	sld [smem:$0x0];
	_ =	sdelay $0x2  }
0x45: {  	s31 =	sshll.u32 s1, $0xD;
	s1 =	sshrl.u32 s1, $0x2  }
0x46: {  	s4 =	sand.u32 $0x4000, s31;
	s1 =	sadd.s32 s1, s30  }
0x47: {  	s0 =	sor.u32 s4, s0;
	s1 =	sshll.u32 s1, $0x11  }
0x48: {  	s0 =	sor.u32 s1, s0  }
0x49: {  	s0 =	sadd.s32 $0x8F2B, s0  }
0x4a: {  	[sflag:s0] =	ssyncadd.remote.s32 $0x1  }
0x4b: {  	_ =	sfence.sel $0xFFFF  }
0x4c: {  	[dreg:$0x0] =	wrdreg $0xFFFFFFFF;
	(pc) =	sbr.abs _section_cstart, $3  }
0x4d: {  	[dreg:$0x1] =	wrdreg $0xFFFFFFFF  }
0x4e: {  	_ =	task.clear_ibuf [dreg:s23], $0x2FFFF;
	_ =	strace $0x9FFFFFFF  }
0x4f: {  	(tm) =	ssettm $0x7FFFFFFF  }
tec
execute0_lowered:
.L_overlay_start_1:
0x0: {  	(tag) =	ssettag $0x1  }
0x1: {  	s0 =	srdreg.scid  }
0x2: {  	s1 =	sshll.u32 s0, $0x4  }
0x3: {  	s0 =	stileid.u32;
	s1 =	sand.u32 $0x10, s1  }
0x4: {  	s1 =	sor.u32 s0, s1  }
0x5: {  	s6 =	rddreg [dreg:$0x0];
	s4 =	simm.s32 $0x1;
	s2 =	sshll.u32 s1, $0x7  }
0x6: {  	s7 =	simm.s32 $0x2;
	s12 =	simm.s32 $0x0;
	s1 =	ssub.s32 $0x4000, s2  }
0x7: {  	s8 =	simm.s32 $0x20000;
	s13 =	simm.s32 $0x0;
	s3 =	sand.u32 $0xF80, s1  }
0x8: {  	s9 =	simm.s32 $0x0;
	s5 =	sshrl.u32 s1, $0xC;
	p0 =	sne.s32 s3, $0x0  }
.Ltmp0:
0x9: {  	s1 =	rddreg [dreg:$0x2];
	s4 =	simm.s32 @!p0 $0x0;
	(pc) =	sbr.rel .LBB1_1-.Ltmp0, $4  }
0xa: {  	s11 =	simm.s32 $0x0;
	s3 =	rddreg [dreg:$0x1];
	s5 =	sadd.s32 s4, s5  }
0xb: {  	_ =	strace $0x8000004D;
	s4 =	simm.s32 $0x1;
	s5 =	smul.u32 $0x27, s5  }
0xc: {  	s6 =	sadd.s32 $0x602800, s6;
	s10 =	smov.u32 s2;
	[sflag:s4] =	ssyncpa.u1 $0x0  }
0xd: {  	p0 =	por $0x0, $0x0;
	[sflag:s7] =	ssyncpa.u1 $0x0;
	s7 =	sadd.s32 $0x1, s5  }
.LBB1_4:
0xe: {  	s16 =	sshll.u32 s13, $0x3;
	s17 =	sand.u32 $0x78, s13  }
0xf: {  	s30 =	sand.u32 $0x1F800, s13;
	s12 =	sshll.u32 s12, $0x11;
	s16 =	sand.u32 $0x3C00, s16  }
0x10: {  	[tilespmem:s15+$0x810 ss:$0x81] =	vst.msk $0xffff, v2;
	s31 =	sand.u32 $0x7, s13;
	s16 =	sor.u32 s17, s16;
	s17 =	sadd.s32 s3, s30  }
0x11: {  	[tilespmem:s15+$0x1020 ss:$0x81] =	vst.msk $0xffff, v0;
	s13 =	sshll.u32 s31, $0x12;
	s12 =	sadd.s32 s12, s17;
	s16 =	sshrl.u32 s16, $0x3  }
0x12: {  	[tilespmem:s15+$0x0 ss:$0x81] =	vst.msk $0xffff, v1;
	s13 =	sor.u32 $0x400, s13;
	s12 =	sadd.s32 s16, s12  }
0x13: {  	[hbm4b:s12+s13] =	stream.strided.scatter [tilespmem:s14], [sflag:$0x2], $0x2000, s8, s13, $0x20;
	[tilespmem:$0x8080] =	vst v63  }
.LBB1_5:
0x14: {  	s14 =	sadd.s32 $0x1, s9  }
0x15: {  	s12 =	sadd.s32 $0x1000, s10;
	s16 =	smov.u32 s10;
	p2 =	sgt.s32 s14, $0x26  }
0x16: {  	s16 =	smov.u32 @p2 s12  }
0x17: {  	s14 =	simm.s32 @p2 $0x0;
	p2 =	sgt.s32 s16, $0x3FFF  }
0x18: {  	s16 =	smov.u32 @p2 s2;
	p2 =	sne.s32 s11, s7  }
.Ltmp1:
0x19: {  	p1 =	slt.u32 s11, $0x2;
	(pc) =	sbr.rel @!p2 .LBB1_6-.Ltmp1, $4  }
0x1a: {  	s15 =	simm.s32 @!p1 $0x2  }
0x1b: {  	s13 =	smov.u32 s10;
	p0 =	por !p0, !p0;
	_ =	swait.ge @!p1 [sflag:s15], $0x2000  }
0x1c: {  	s12 =	smov.u32 s9;
	[sflag:s15] =	ssyncset.done @!p1 $0x0;
	s9 =	smov.u32 s14  }
0x1d: {  	s11 =	sadd.s32 $0x1, s11;
	[sflag:s15] =	ssyncadd.s32 @!p1 $0xFFFFE000;
	s10 =	smov.u32 s16  }
.LBB1_1:
0x1e: {  	p1 =	sge.u32 s11, s5  }
0x1f: {  	s14 =	sand.u32 @!p1 $0x1FFFFFF, s9  }
0x20: {  	s15 =	smulhi.u32 @!p1 $0x6666667, s14;
	_ =	sdelay $0x1  }
0x21: {  	s15 =	smul.u32 @!p1 $0x28, s15  }
0x22: {  	s16 =	sxor.u32 @!p1 $0xFFFFFFFF, s11;
	s17 =	smul.u32 @!p1 $0x280, s10  }
0x23: {  	s31 =	sadd.s32 $0xFFFFFFFF, s11;
	s16 =	sshll.u32 @!p1 s16, $0xD;
	s14 =	ssub.s32 @!p1 s14, s15  }
0x24: {  	s15 =	sand.u32 @!p1 $0x2000, s16;
	s16 =	sadd.s32 @!p1 s6, s17;
	s14 =	sshll.u32 @!p1 s14, $0x4  }
0x25: {  	s17 =	simm.s32 @!p1 $0x1400;
	s14 =	sadd.s32 @!p1 s14, s16;
	s16 =	simm.s32 @!p1 $0x40  }
0x26: {  	[tilespmem:s15], [sflag:$0x1] =	stream.strided.gather @!p1 [hbm4b:s14+s16], $0x2000, s17, s16, $0x38;
	[tilespmem:$0x8080] =	vst v63  }
0x27: {  	p1 =	sge.u32 s31, s5  }
.Ltmp2:
0x28: {  	_ = 	snop;
	(pc) =	sbr.rel @p1 .LBB1_5-.Ltmp2, $1  }
0x29: {  	_ =	sdelay $0x3  }
0x2a: {  	s14 =	simm.s32 $0x1  }
0x2b: {  	_ =	swait.ge [sflag:s4], $0x2000;
	s14 =	simm.s32 @!p0 $0x0  }
0x2c: {  	[sflag:s4] =	ssyncset.done $0x0;
	s15 =	sshll.u32 s14, $0xD  }
0x2d: {  	[sflag:s4] =	ssyncadd.s32 $0xFFFFE000;
	s18 =	sor.u32 $0x20, s15  }
0x2e: {  	s14 =	smul.u32 $0x8100, s14;
	v3 =	vld [tilespmem:s18+$0x10]  }
0x2f: {  	s30 =	sand.u32 $0x1, s11;
	v2 =	vld [tilespmem:s18+$0xFFFFFFF0]  }
0x30: {  	s15 =	smul.u32 $0x8100, s30;
	s14 =	sshrl.u32 s14, $0x2;
	v0 =	vld [tilespmem:s18+$0x0]  }
0x31: {  	v1 =	vld [tilespmem:s18+$0xFFFFFFE0];
	s16 =	sor.u32 $0x4000, s14  }
0x32: {  	s31 =	sshrl.u32 s15, $0x2;
	s15 =	sadd.s32 $0x0, s16  }
0x33: {  	s17 =	simm.s32 $0x4;
	s18 =	sadd.s32 $0x40, s18;
	s14 =	sor.u32 $0x4000, s31;
	[tilespmem:s15+$0x1830 ss:$0x81] =	vst.msk $0xffff, v3  }
.LBB1_3:
0x34: {  	v3 =	vld [tilespmem:s18+$0x10];
	p1 =	sne.s32 s17, $0x1FC;
	[tilespmem:s15+$0x810 ss:$0x81] =	vst.msk $0xffff, v2;
	s19 =	smov.u32 s17;
	s17 =	sadd.s32 $0x4, s17  }
.Ltmp3:
0x35: {  	v2 =	vld [tilespmem:s18+$0xFFFFFFF0];
	[tilespmem:s15+$0x1020 ss:$0x81] =	vst.msk $0xffff, v0;
	(pc) =	sbr.rel @p1 .LBB1_3-.Ltmp3, $4  }
0x36: {  	v0 =	vld [tilespmem:s18+$0x0];
	[tilespmem:s15+$0x0 ss:$0x81] =	vst.msk $0xffff, v1  }
0x37: {  	s15 =	sshra.s32 s19, $0x2;
	v1 =	vld [tilespmem:s18+$0xFFFFFFE0]  }
0x38: {  	s15 =	sadd.s32 s15, s16  }
0x39: {  	s18 =	sadd.s32 $0x40, s18;
	[tilespmem:s15+$0x1830 ss:$0x81] =	vst.msk $0xffff, v3  }
.Ltmp4:
0x3a: {  	_ = 	snop;
	(pc) =	sbr.rel .LBB1_4-.Ltmp4, $1  }
0x3b: {  	_ =	sdelay $0x3  }
.LBB1_6:
0x3c: {  	_ =	sfence.sel $0x180000  }
0x3d: {  	s2 =	simm.s32 $0x1;
	[bflag:$0x0] =	sbarrier.arrive $0xFFFF  }
0x3e: {  	s31 =	simm.s32 $0x2;
	[sflag:s2] =	ssyncpa.u1 $0x1  }
0x3f: {  	[sflag:s31] =	ssyncpa.u1 $0x1  }
0x40: {  	p0 =	sne.s32 s0, $0x0;
	_ =	strace $0x9000004D  }
0x41: {  	s0 =	sadd.s32 @!p0 $0x100000, s1;
	[bflag:$0x2] =	sbarrier.arrive $0xFFFF  }
0x42: {  	[sflag:s0] =	ssyncadd.tile.s32 @!p0 $0x1;
	_ =	shalt  }
.Lfunc_end1:
_tile_overlayer_lowered:
.L_overlay_start_2:
0x43: {  	(tag) =	ssettag $0x2  }
0x44: {  	s0 =	rddreg [dreg:$0x0];
	s2 =	stileid.u32  }
0x45: {  	s1 =	rddreg [dreg:$0x1];
	p0 =	sne.s32 s2, $0x0  }
0x46: {  	s3 =	rddreg [dreg:$0x2];
	[bflag:$0x3] =	sbarrier.arrive $0xFFFF;
	s2 =	simm.s32 @!p0 $0x1C01  }
0x47: {  	[timem:s3], [sflag:s2] =	dma.local @!p0 [hbm:s0], s1  }
0x48: {  	s0 =	simm.s32 @!p0 $0x1  }
0x49: {  	_ =	swait.ge @!p0 [sflag:s0], s1  }
0x4a: {  	s1 =	ssub.s32 @!p0 $0x0, s1;
	[sflag:s0] =	ssyncset.done @!p0 $0x0  }
0x4b: {  	[sflag:s0] =	ssyncadd.s32 @!p0 s1  }
0x4c: {  	[bflag:$0x3] =	sbarrier.arrive $0xFFFF  }
0x4d: {  	_ =	shalt  }

// kernel: sparse-core-data-format-call.cloned.1.call-start
scs
called_computation_lowered:
.L_overlay_start_0:
0x0: {  	s2 =	sld [smem:$0x3FD9]  }
0x1: {  	s3 =	sld [smem:$0x3FFE];
	_ =	sdelay $0x1  }
0x2: {  	s1 =	srdreg.scid  }
0x3: {  	s0 =	sand.u32 $0x1, s1  }
0x4: {  	s15 =	sshll.u32 s0, $0xA;
	s2 =	sadd.s32 s3, s2  }
0x5: {  	s2 =	sadd.s32 s2, s15  }
0x6: {  	[smem:$0x3FC0] =	sst s2  }
0x7: {  	_ = 	snop  }
0x8: {  	s2 =	sld [smem:$0x3FD0];
	_ =	sdelay $0x2  }
0x9: {  	s16 =	simm.s32 $0xB;
	s4 =	simm.s32 $0x10  }
0xa: {  	[smem:s4], [sflag:s16] =	dma.local [hbm:s2], $0x1  }
0xb: {  	_ =	swait.eq [sflag:s16], $0x1  }
0xc: {  	[sflag:s16] =	ssyncset.done $0x0  }
0xd: {  	[sflag:s16] =	ssyncadd.s32 $0xFFFFFFFF  }
0xe: {  	s17 =	sld [smem:$0x11];
	(tm) =	ssettm $0x1  }
0xf: {  	s18 =	sld [smem:$0x3FFB];
	_ =	sdelay $0x3  }
0x10: {  	_ =	strace s18  }
0x11: {  	s3 =	sld [smem:$0x3FFC];
	_ =	sdelay $0x3  }
0x12: {  	_ =	strace s3  }
0x13: {  	s3 =	sld [smem:$0x3FFD];
	_ =	sdelay $0x3  }
0x14: {  	_ =	strace s3  }
0x15: {  	_ =	strace $0x8FFFFFFF  }
0x16: {  	s19 =	sld [smem:$0x3FDB];
	_ =	sdelay $0x1  }
0x17: {  	s20 =	simm.s32 $_scs_section_size  }
0x18: {  	s5 =	simm.s32 $_size__tile_overlayer_lowered;
	s6 =	simm.s32 $_tile_overlayer_lowered  }
0x19: {  	s23 =	simm.s32 $0x1BFF;
	s22 =	sshll.u32 s6, $0x1;
	s3 =	sadd.s32 s20, s19  }
0x1a: {  	s7 =	simm.s32 $0x0;
	s21 =	sshll.u32 s5, $0x1;
	s5 =	sadd.s32 s22, s3  }
0x1b: {  	[timem:s7], [sflag:s23] =	dma.local [hbm:s5], s21  }
0x1c: {  	_ =	swait.ge [sflag:s23], s21  }
0x1d: {  	s4 =	ssub.s32 $0x0, s21;
	[sflag:s23] =	ssyncset.done $0x0  }
0x1e: {  	[sflag:s23] =	ssyncadd.s32 s4;
	_ =	sdelay $0x1  }
0x1f: {  	s24 =	simm.s32 $0x1B8B  }
0x20: {  	_ =	swait.ge [sflag:s24], $0x1  }
0x21: {  	[sflag:s24] =	ssyncset.done $0x0  }
0x22: {  	s26 =	simm.s32 $0x1B8E;
	s25 =	sld [smem:$0x3FFE];
	[sflag:s24] =	ssyncadd.s32 $0xFFFFFFFF  }
0x23: {  	s27 =	simm.s32 $execute0_lowered;
	[smem:$0x3FD2] =	sst s26  }
0x24: {  	s5 =	sshll.u32 s27, $0x1;
	_ =	strace $0x80000049;
	[dreg:$0x1] =	wrdreg $0xFFFFFFFF  }
0x25: {  	s28 =	simm.s32 $_size_execute0_lowered;
	s3 =	sadd.s32 s3, s5;
	[dreg:$0x0] =	wrdreg $0x0  }
0x26: {  	s5 =	sshll.u32 s28, $0x1;
	[dreg:$0x2] =	wrdreg s3  }
0x27: {  	[dreg:$0x3] =	wrdreg s5  }
0x28: {  	[dreg:$0x4] =	wrdreg $0xC0  }
0x29: {  	_ =	task [dreg:s7], $0x5FFFF  }
0x2a: {  	[dreg:$0x1] =	wrdreg $0xFFFFFFFF  }
0x2b: {  	[dreg:$0x0] =	wrdreg $0x60  }
0x2c: {  	[dreg:$0x2] =	wrdreg s25  }
0x2d: {  	[dreg:$0x3] =	wrdreg s17  }
0x2e: {  	[dreg:$0x4] =	wrdreg $0x9  }
0x2f: {  	_ =	task.clear_ibuf [dreg:s7], $0x5FFFF;
	_ =	strace $0x90000049  }
0x30: {  	s29 =	simm.s32 $0x9;
	_ =	strace $0x8000004B  }
0x31: {  	_ =	swait.ge [sflag:s29], $0x1  }
0x32: {  	[sflag:s29] =	ssyncadd.s32 $0xFFFFFFFF  }
0x33: {  	_ =	strace $0x9000004B  }
0x34: {  	_ =	sfence  }
0x35: {  	s30 =	sld [smem:$0x0];
	_ =	sdelay $0x2  }
0x36: {  	s31 =	sshll.u32 s1, $0xD;
	s1 =	sshrl.u32 s1, $0x2  }
0x37: {  	s3 =	sand.u32 $0x4000, s31;
	s1 =	sadd.s32 s1, s30  }
0x38: {  	s0 =	sor.u32 s3, s0;
	s1 =	sshll.u32 s1, $0x11  }
0x39: {  	s0 =	sor.u32 s1, s0  }
0x3a: {  	s0 =	sadd.s32 $0x8F2B, s0  }
0x3b: {  	[sflag:s0] =	ssyncadd.remote.s32 $0x1  }
0x3c: {  	_ =	sfence.sel $0xFFFF  }
0x3d: {  	[dreg:$0x0] =	wrdreg $0xFFFFFFFF;
	(pc) =	sbr.abs _section_cstart, $3  }
0x3e: {  	[dreg:$0x1] =	wrdreg $0xFFFFFFFF  }
0x3f: {  	_ =	task.clear_ibuf [dreg:s7], $0x2FFFF;
	_ =	strace $0x9FFFFFFF  }
0x40: {  	(tm) =	ssettm $0x7FFFFFFF  }
0x41: {  	_ =	shalt  }
tec
execute0_lowered:
.L_overlay_start_1:
0x0: {  	(tag) =	ssettag $0x1  }
0x1: {  	s0 =	srdreg.scid  }
0x2: {  	s1 =	sshll.u32 s0, $0x4  }
0x3: {  	s0 =	stileid.u32;
	s1 =	sand.u32 $0x10, s1  }
0x4: {  	s1 =	sor.u32 s0, s1  }
0x5: {  	s6 =	rddreg [dreg:$0x0];
	s4 =	simm.s32 $0x1;
	s2 =	sshll.u32 s1, $0x7  }
0x6: {  	s7 =	simm.s32 $0x2;
	s12 =	simm.s32 $0x0;
	s1 =	ssub.s32 $0x4000, s2  }
0x7: {  	s8 =	simm.s32 $0x20000;
	s13 =	simm.s32 $0x0;
	s3 =	sand.u32 $0xF80, s1  }
0x8: {  	s9 =	simm.s32 $0x0;
	s5 =	sshrl.u32 s1, $0xC;
	p0 =	sne.s32 s3, $0x0  }
.Ltmp0:
0x9: {  	s1 =	rddreg [dreg:$0x2];
	s4 =	simm.s32 @!p0 $0x0;
	(pc) =	sbr.rel .LBB1_1-.Ltmp0, $4  }
0xa: {  	s11 =	simm.s32 $0x0;
	s3 =	rddreg [dreg:$0x1];
	s5 =	sadd.s32 s4, s5  }
0xb: {  	_ =	strace $0x8000004A;
	s4 =	simm.s32 $0x1;
	s5 =	smul.u32 $0xC, s5  }
0xc: {  	s6 =	sadd.s32 $0x202800, s6;
	s10 =	smov.u32 s2;
	[sflag:s4] =	ssyncpa.u1 $0x0  }
0xd: {  	p0 =	por $0x0, $0x0;
	[sflag:s7] =	ssyncpa.u1 $0x0;
	s7 =	sor.u32 $0x1, s5  }
.LBB1_4:
0xe: {  	s16 =	sshll.u32 s13, $0x3;
	s17 =	sand.u32 $0x78, s13  }
0xf: {  	s30 =	sand.u32 $0x1F800, s13;
	s12 =	sshll.u32 s12, $0x11;
	s16 =	sand.u32 $0x3C00, s16  }
0x10: {  	[tilespmem:s15+$0x810 ss:$0x81] =	vst.msk $0xffff, v2;
	s31 =	sand.u32 $0x7, s13;
	s16 =	sor.u32 s17, s16;
	s17 =	sadd.s32 s3, s30  }
0x11: {  	[tilespmem:s15+$0x1020 ss:$0x81] =	vst.msk $0xffff, v0;
	s13 =	sshll.u32 s31, $0x12;
	s12 =	sadd.s32 s12, s17;
	s16 =	sshrl.u32 s16, $0x3  }
0x12: {  	[tilespmem:s15+$0x0 ss:$0x81] =	vst.msk $0xffff, v1;
	s13 =	sor.u32 $0x400, s13;
	s12 =	sadd.s32 s16, s12  }
0x13: {  	[hbm4b:s12+s13] =	stream.strided.scatter [tilespmem:s14], [sflag:$0x2], $0x2000, s8, s13, $0x20;
	[tilespmem:$0x8080] =	vst v63  }
.LBB1_5:
0x14: {  	s14 =	sadd.s32 $0x1, s9  }
0x15: {  	s12 =	sadd.s32 $0x1000, s10;
	s16 =	smov.u32 s10;
	p2 =	sgt.s32 s14, $0xB  }
0x16: {  	s16 =	smov.u32 @p2 s12  }
0x17: {  	s14 =	simm.s32 @p2 $0x0;
	p2 =	sgt.s32 s16, $0x3FFF  }
0x18: {  	s16 =	smov.u32 @p2 s2;
	p2 =	sne.s32 s11, s7  }
.Ltmp1:
0x19: {  	p1 =	slt.u32 s11, $0x2;
	(pc) =	sbr.rel @!p2 .LBB1_6-.Ltmp1, $4  }
0x1a: {  	s15 =	simm.s32 @!p1 $0x2  }
0x1b: {  	s13 =	smov.u32 s10;
	p0 =	por !p0, !p0;
	_ =	swait.ge @!p1 [sflag:s15], $0x2000  }
0x1c: {  	s12 =	smov.u32 s9;
	[sflag:s15] =	ssyncset.done @!p1 $0x0;
	s9 =	smov.u32 s14  }
0x1d: {  	s11 =	sadd.s32 $0x1, s11;
	[sflag:s15] =	ssyncadd.s32 @!p1 $0xFFFFE000;
	s10 =	smov.u32 s16  }
.LBB1_1:
0x1e: {  	p1 =	sge.u32 s11, s5  }
0x1f: {  	s31 =	sadd.s32 $0xFFFFFFFF, s11;
	s14 =	sxor.u32 @!p1 $0xFFFFFFFF, s11  }
0x20: {  	s15 =	sshll.u32 @!p1 s10, $0x8;
	s16 =	sshll.u32 @!p1 s9, $0x4;
	s17 =	simm.s32 @!p1 $0x800  }
0x21: {  	s14 =	sshll.u32 @!p1 s14, $0xD;
	s16 =	sand.u32 @!p1 $0xF0, s16;
	s15 =	sadd.s32 @!p1 s6, s15  }
0x22: {  	s14 =	sand.u32 @!p1 $0x2000, s14;
	s15 =	sadd.s32 @!p1 s16, s15;
	s16 =	simm.s32 @!p1 $0x40  }
0x23: {  	[tilespmem:s14], [sflag:$0x1] =	stream.strided.gather @!p1 [hbm4b:s15+s16], $0x2000, s17, s16, $0x38;
	[tilespmem:$0x8080] =	vst v63  }
0x24: {  	p1 =	sge.u32 s31, s5  }
.Ltmp2:
0x25: {  	_ = 	snop;
	(pc) =	sbr.rel @p1 .LBB1_5-.Ltmp2, $1  }
0x26: {  	_ =	sdelay $0x3  }
0x27: {  	s14 =	simm.s32 $0x1  }
0x28: {  	_ =	swait.ge [sflag:s4], $0x2000;
	s14 =	simm.s32 @!p0 $0x0  }
0x29: {  	[sflag:s4] =	ssyncset.done $0x0;
	s15 =	sshll.u32 s14, $0xD  }
0x2a: {  	[sflag:s4] =	ssyncadd.s32 $0xFFFFE000;
	s18 =	sor.u32 $0x20, s15  }
0x2b: {  	s14 =	smul.u32 $0x8100, s14;
	v3 =	vld [tilespmem:s18+$0x10]  }
0x2c: {  	s30 =	sand.u32 $0x1, s11;
	v2 =	vld [tilespmem:s18+$0xFFFFFFF0]  }
0x2d: {  	s15 =	smul.u32 $0x8100, s30;
	s14 =	sshrl.u32 s14, $0x2;
	v0 =	vld [tilespmem:s18+$0x0]  }
0x2e: {  	v1 =	vld [tilespmem:s18+$0xFFFFFFE0];
	s16 =	sor.u32 $0x4000, s14  }
0x2f: {  	s31 =	sshrl.u32 s15, $0x2;
	s15 =	sadd.s32 $0x0, s16  }
0x30: {  	s17 =	simm.s32 $0x4;
	s18 =	sadd.s32 $0x40, s18;
	s14 =	sor.u32 $0x4000, s31;
	[tilespmem:s15+$0x1830 ss:$0x81] =	vst.msk $0xffff, v3  }
.LBB1_3:
0x31: {  	v3 =	vld [tilespmem:s18+$0x10];
	p1 =	sne.s32 s17, $0x1FC;
	[tilespmem:s15+$0x810 ss:$0x81] =	vst.msk $0xffff, v2;
	s19 =	smov.u32 s17;
	s17 =	sadd.s32 $0x4, s17  }
.Ltmp3:
0x32: {  	v2 =	vld [tilespmem:s18+$0xFFFFFFF0];
	[tilespmem:s15+$0x1020 ss:$0x81] =	vst.msk $0xffff, v0;
	(pc) =	sbr.rel @p1 .LBB1_3-.Ltmp3, $4  }
0x33: {  	v0 =	vld [tilespmem:s18+$0x0];
	[tilespmem:s15+$0x0 ss:$0x81] =	vst.msk $0xffff, v1  }
0x34: {  	s15 =	sshra.s32 s19, $0x2;
	v1 =	vld [tilespmem:s18+$0xFFFFFFE0]  }
0x35: {  	s15 =	sadd.s32 s15, s16  }
0x36: {  	s18 =	sadd.s32 $0x40, s18;
	[tilespmem:s15+$0x1830 ss:$0x81] =	vst.msk $0xffff, v3  }
.Ltmp4:
0x37: {  	_ = 	snop;
	(pc) =	sbr.rel .LBB1_4-.Ltmp4, $1  }
0x38: {  	_ =	sdelay $0x3  }
.LBB1_6:
0x39: {  	_ =	sfence.sel $0x180000  }
0x3a: {  	s2 =	simm.s32 $0x1;
	[bflag:$0x0] =	sbarrier.arrive $0xFFFF  }
0x3b: {  	s31 =	simm.s32 $0x2;
	[sflag:s2] =	ssyncpa.u1 $0x1  }
0x3c: {  	[sflag:s31] =	ssyncpa.u1 $0x1  }
0x3d: {  	p0 =	sne.s32 s0, $0x0;
	_ =	strace $0x9000004A  }
0x3e: {  	s0 =	sadd.s32 @!p0 $0x100000, s1;
	[bflag:$0x2] =	sbarrier.arrive $0xFFFF  }
0x3f: {  	[sflag:s0] =	ssyncadd.tile.s32 @!p0 $0x1;
	_ =	shalt  }
.Lfunc_end1:
_tile_overlayer_lowered:
.L_overlay_start_2:
0x40: {  	(tag) =	ssettag $0x2  }
0x41: {  	s0 =	rddreg [dreg:$0x0];
	s2 =	stileid.u32  }
0x42: {  	s1 =	rddreg [dreg:$0x1];
	p0 =	sne.s32 s2, $0x0  }
0x43: {  	s3 =	rddreg [dreg:$0x2];
	[bflag:$0x3] =	sbarrier.arrive $0xFFFF;
	s2 =	simm.s32 @!p0 $0x1C01  }
0x44: {  	[timem:s3], [sflag:s2] =	dma.local @!p0 [hbm:s0], s1  }
0x45: {  	s0 =	simm.s32 @!p0 $0x1  }
0x46: {  	_ =	swait.ge @!p0 [sflag:s0], s1  }
0x47: {  	s1 =	ssub.s32 @!p0 $0x0, s1;
	[sflag:s0] =	ssyncset.done @!p0 $0x0  }
0x48: {  	[sflag:s0] =	ssyncadd.s32 @!p0 s1  }
0x49: {  	[bflag:$0x3] =	sbarrier.arrive $0xFFFF  }
0x4a: {  	_ =	shalt  }

</sc_bundles>
